<compile_context>
chip_gen: v7x
topology: tpu7x:2x2x1
jax: 0.10.2.dev20260603
libtpu: 0.0.44.dev20260713+nightly
codegen_flags: <defaults>
</compile_context>

<pallas_src>
import jax
import jax.numpy as jnp
from jax import lax
from jax.experimental import pallas as pl
from jax.experimental.pallas import tpu as pltpu
from jax.experimental.pallas import tpu_sc as plsc
import functools

VOCAB = 1000
HIDDEN = 128
BATCH = 1024
SEQ = 50

NW = 32
BATCH_W = BATCH // NW
GB = 4
NCHUNK = BATCH_W // GB


_sc_mesh = plsc.VectorSubcoreMesh(core_axis_name="c", subcore_axis_name="s")


@functools.partial(
    pl.kernel,
    mesh=_sc_mesh,
    out_type=jax.ShapeDtypeStruct((BATCH, SEQ, HIDDEN), jnp.float32),
    scratch_types=[
        pltpu.VMEM((GB, SEQ), jnp.int32),
        pltpu.VMEM((GB, SEQ), jnp.int32),
        pltpu.VMEM((2, GB, SEQ, HIDDEN), jnp.float32),
        pltpu.SemaphoreType.DMA,
        pltpu.SemaphoreType.DMA,
        pltpu.SemaphoreType.DMA,
        pltpu.SemaphoreType.DMA,
        pltpu.SemaphoreType.DMA,
        pltpu.SemaphoreType.DMA,
    ],
)
def _sc_gather(emb, ids, out, idxA, idxB, rows_v, g0, g1, s0, s1, i0, i1):
    cid = lax.axis_index("c")
    sid = lax.axis_index("s")
    wid = sid * 2 + cid
    base = wid * BATCH_W

    def idx_fetch(c, idx, sem):
        pltpu.async_copy(ids.at[pl.ds(base + c * GB, GB)], idx, sem)

    def idx_wait(c, idx, sem):
        pltpu.make_async_copy(ids.at[pl.ds(base + c * GB, GB)], idx, sem).wait()

    def gather(idx, slot, sem):
        for k in range(GB):
            pltpu.async_copy(emb.at[idx.at[k]], rows_v.at[slot, k], sem)

    def gather_wait(idx, slot, sem):
        for k in range(GB):
            pltpu.make_async_copy(
                emb.at[idx.at[k]], rows_v.at[slot, k], sem
            ).wait()

    def scatter(c, slot, sem):
        pltpu.async_copy(
            rows_v.at[slot], out.at[pl.ds(base + c * GB, GB)], sem
        )

    def scatter_wait(c, slot, sem):
        pltpu.make_async_copy(
            rows_v.at[slot], out.at[pl.ds(base + c * GB, GB)], sem
        ).wait()

    pltpu.sync_copy(ids.at[pl.ds(base, GB)], idxA)
    pltpu.sync_copy(ids.at[pl.ds(base + GB, GB)], idxB)
    gather(idxA, 0, g0)
    gather(idxB, 1, g1)

    def body(g, carry):
        c0 = 2 * g
        c1 = c0 + 1
        gather_wait(idxA, 0, g0)
        idx_fetch(c0 + 2, idxA, i0)
        scatter(c0, 0, s0)
        gather_wait(idxB, 1, g1)
        idx_fetch(c1 + 2, idxB, i1)
        scatter(c1, 1, s1)
        scatter_wait(c0, 0, s0)
        idx_wait(c0 + 2, idxA, i0)
        gather(idxA, 0, g0)
        scatter_wait(c1, 1, s1)
        idx_wait(c1 + 2, idxB, i1)
        gather(idxB, 1, g1)
        return carry

    lax.fori_loop(0, NCHUNK // 2 - 1, body, 0, unroll=False)

    gather_wait(idxA, 0, g0)
    scatter(NCHUNK - 2, 0, s0)
    gather_wait(idxB, 1, g1)
    scatter(NCHUNK - 1, 1, s1)
    scatter_wait(NCHUNK - 2, 0, s0)
    scatter_wait(NCHUNK - 1, 1, s1)


SB = 2


def _mm_body(wt_ref, b_ref, emb_ref, out_ref):
    g = pl.program_id(0)
    for j in range(SB):
        e = emb_ref[:, g * SB + j, :]
        out_ref[j] = (
            jax.lax.dot_general(
                wt_ref[...], e, (((1,), (1,)), ((), ())),
                preferred_element_type=jnp.float32,
            )
            + b_ref[...]
        )


def _matmul(WT, b_col, emb_g):
    return pl.pallas_call(
        _mm_body,
        grid=(SEQ // SB,),
        compiler_params=pltpu.CompilerParams(
            vmem_limit_bytes=48 * 1024 * 1024
        ),
        in_specs=[
            pl.BlockSpec((VOCAB, HIDDEN), lambda s: (0, 0)),
            pl.BlockSpec((VOCAB, 1), lambda s: (0, 0)),
            pl.BlockSpec((BATCH, SEQ, HIDDEN), lambda s: (0, 0, 0)),
        ],
        out_specs=pl.BlockSpec((SB, VOCAB, BATCH), lambda s: (s, 0, 0)),
        out_shape=jax.ShapeDtypeStruct((SEQ, VOCAB, BATCH), jnp.float32),
    )(WT, b_col, emb_g)


def kernel(input_ids, embedding, W, b):
    ids = input_ids.astype(jnp.int32)
    emb_g = _sc_gather(embedding, ids)
    out_t = _matmul(W.T, b.reshape(VOCAB, 1), emb_g)
    return out_t.transpose(2, 0, 1)

# --- scband reference (transcript-rebuilt; emitter-appended) ---
"""Pipeline reference for scband-mock-model-51608327029222 (READ-ONLY COPY).

The authoritative reference and input builder live on the scoring server;
editing this copy changes nothing except your own understanding.
"""

import jax, jax.numpy as jnp
import numpy as np

VOCAB = 1000
HIDDEN = 128
BATCH = 1024
SEQ = 50

def setup_inputs(seed: int = 0) -> dict:
    key = jax.random.key(seed)
    k1, k2, k3, k4 = jax.random.split(key, 4)
    input_ids = jax.random.randint(k1, (BATCH, SEQ), 0, VOCAB, dtype=jnp.int64 if jax.config.read('jax_enable_x64') else jnp.int32)
    embedding = jax.random.normal(k2, (VOCAB, HIDDEN), dtype=jnp.float32)
    W = jax.random.normal(k3, (HIDDEN, VOCAB), dtype=jnp.float32) * (1.0 / np.sqrt(HIDDEN))
    b = jax.random.normal(k4, (VOCAB,), dtype=jnp.float32) * 0.01
    return {"input_ids": input_ids, "embedding": embedding, "W": W, "b": b}

def reference(input_ids, embedding, W, b):
    # embedding lookup (gather) followed by output projection
    embeddings = jnp.take(embedding, input_ids, axis=0)  # [B, S, H]
    logits = jnp.einsum('bsh,hv->bsv', embeddings, W) + b  # [B, S, V]
    return logits

if __name__ == "__main__":
    import jax
    _d = setup_inputs()
    print(jax.jit(kernel)(*tuple(_d.values())))

</pallas_src>

<mosaic_0001>
#map = affine_map<(d0, d1) -> (0, 0)>
#map1 = affine_map<(d0, d1) -> (0, 0, 0)>
module attributes {stable_mosaic.version = 14 : i64} {
  func.func @_sc_gather(%arg0: i32, %arg1: i32, %arg2: memref<1000x128xf32, #tpu.memory_space<hbm>>, %arg3: memref<1024x50xi32, #tpu.memory_space<hbm>>, %arg4: memref<1024x50x128xf32, #tpu.memory_space<hbm>>, %arg5: memref<4x50xi32, #tpu.memory_space<vmem>>, %arg6: memref<4x50xi32, #tpu.memory_space<vmem>>, %arg7: memref<2x4x50x128xf32, #tpu.memory_space<vmem>>, %arg8: memref<!tpu.dma_semaphore, #tpu.memory_space<semaphore_mem>>, %arg9: memref<!tpu.dma_semaphore, #tpu.memory_space<semaphore_mem>>, %arg10: memref<!tpu.dma_semaphore, #tpu.memory_space<semaphore_mem>>, %arg11: memref<!tpu.dma_semaphore, #tpu.memory_space<semaphore_mem>>, %arg12: memref<!tpu.dma_semaphore, #tpu.memory_space<semaphore_mem>>, %arg13: memref<!tpu.dma_semaphore, #tpu.memory_space<semaphore_mem>>) attributes {dimension_semantics = [#tpu.dimension_semantics<core_parallel>, #tpu.dimension_semantics<subcore_parallel>], iteration_bounds = array<i64: 2, 16>, scalar_prefetch = 0 : i64, scratch_operands = 9 : i64, tpu.core_type = #tpu.core_type<sc_vector_subcore>, window_params = [{transform_indices = #map}, {transform_indices = #map}, {transform_indices = #map1}]} {
    %mul3A = arith.constant 2 : i32
    %mul3A_0 = arith.muli %arg1, %mul3A : i32
    %add3A = arith.addi %mul3A_0, %arg0 : i32
    %mul3A_1 = arith.constant 32 : i32
    %mul3A_2 = arith.muli %add3A, %mul3A_1 : i32
    "tpu.region"() ({
      %run_scoped3A = tpu.sem_alloc : memref<!tpu.dma_semaphore, #tpu.memory_space<semaphore_mem>>
      %dma_start3A_292 = arith.constant 0 : i32
      %dma_start3A_293 = tpu.memref_slice %arg3[%mul3A_2, %dma_start3A_292] : memref<1024x50xi32, #tpu.memory_space<hbm>> -> memref<4x50xi32, #tpu.memory_space<hbm>>
      %dma_start3A_294 = arith.constant 0 : i32
      %dma_start3A_295 = tpu.memref_slice %arg3[%mul3A_2, %dma_start3A_294] : memref<1024x50xi32, #tpu.memory_space<hbm>> -> memref<4x50xi32, #tpu.memory_space<hbm>>
      tpu.enqueue_dma source(%dma_start3A_295 : memref<4x50xi32, #tpu.memory_space<hbm>>) target(%arg5 : memref<4x50xi32, #tpu.memory_space<vmem>>) target_semaphore(%run_scoped3A : memref<!tpu.dma_semaphore, #tpu.memory_space<semaphore_mem>>)
      %dma_wait3A_296 = arith.constant 0 : i32
      %dma_wait3A_297 = tpu.memref_slice %arg3[%mul3A_2, %dma_wait3A_296] : memref<1024x50xi32, #tpu.memory_space<hbm>> -> memref<4x50xi32, #tpu.memory_space<hbm>>
      %dma_wait3A_298 = arith.constant 0 : i32
      %dma_wait3A_299 = tpu.memref_slice %arg3[%mul3A_2, %dma_wait3A_298] : memref<1024x50xi32, #tpu.memory_space<hbm>> -> memref<4x50xi32, #tpu.memory_space<hbm>>
      tpu.wait_dma2 semaphore(%run_scoped3A : memref<!tpu.dma_semaphore, #tpu.memory_space<semaphore_mem>>) src(%dma_wait3A_299 : memref<4x50xi32, #tpu.memory_space<hbm>>) dst(%arg5 : memref<4x50xi32, #tpu.memory_space<vmem>>)
      tpu.yield
    }) : () -> ()
    %add3A_3 = arith.constant 4 : i32
    %add3A_4 = arith.addi %mul3A_2, %add3A_3 : i32
    "tpu.region"() ({
      %run_scoped3A = tpu.sem_alloc : memref<!tpu.dma_semaphore, #tpu.memory_space<semaphore_mem>>
      %dma_start3A_292 = arith.constant 0 : i32
      %dma_start3A_293 = tpu.memref_slice %arg3[%add3A_4, %dma_start3A_292] : memref<1024x50xi32, #tpu.memory_space<hbm>> -> memref<4x50xi32, #tpu.memory_space<hbm>>
      %dma_start3A_294 = arith.constant 0 : i32
      %dma_start3A_295 = tpu.memref_slice %arg3[%add3A_4, %dma_start3A_294] : memref<1024x50xi32, #tpu.memory_space<hbm>> -> memref<4x50xi32, #tpu.memory_space<hbm>>
      tpu.enqueue_dma source(%dma_start3A_295 : memref<4x50xi32, #tpu.memory_space<hbm>>) target(%arg6 : memref<4x50xi32, #tpu.memory_space<vmem>>) target_semaphore(%run_scoped3A : memref<!tpu.dma_semaphore, #tpu.memory_space<semaphore_mem>>)
      %dma_wait3A_296 = arith.constant 0 : i32
      %dma_wait3A_297 = tpu.memref_slice %arg3[%add3A_4, %dma_wait3A_296] : memref<1024x50xi32, #tpu.memory_space<hbm>> -> memref<4x50xi32, #tpu.memory_space<hbm>>
      %dma_wait3A_298 = arith.constant 0 : i32
      %dma_wait3A_299 = tpu.memref_slice %arg3[%add3A_4, %dma_wait3A_298] : memref<1024x50xi32, #tpu.memory_space<hbm>> -> memref<4x50xi32, #tpu.memory_space<hbm>>
      tpu.wait_dma2 semaphore(%run_scoped3A : memref<!tpu.dma_semaphore, #tpu.memory_space<semaphore_mem>>) src(%dma_wait3A_299 : memref<4x50xi32, #tpu.memory_space<hbm>>) dst(%arg6 : memref<4x50xi32, #tpu.memory_space<vmem>>)
      tpu.yield
    }) : () -> ()
    %dma_start3A = arith.constant 0 : i32
    %dma_start3A_5 = arith.constant 0 : i32
    %dma_start3A_6 = arith.constant 0 : i32
    %dma_start3A_7 = arith.constant 0 : i32
    %dma_start3A_8 = arith.constant 0 : i32
    %dma_start3A_9 = tpu.memref_slice %arg7[%dma_start3A_5, %dma_start3A_6, %dma_start3A_7, %dma_start3A_8] : memref<2x4x50x128xf32, #tpu.memory_space<vmem>> -> memref<1x1x50x128xf32, #tpu.memory_space<vmem>>
    %dma_start3A_10 = tpu.memref_squeeze %dma_start3A_9 : memref<1x1x50x128xf32, #tpu.memory_space<vmem>> -> memref<50x128xf32, #tpu.memory_space<vmem>>
    %dma_start3A_11 = arith.constant 0 : i32
    %dma_start3A_12 = tpu.memref_slice %arg5[%dma_start3A, %dma_start3A_11] : memref<4x50xi32, #tpu.memory_space<vmem>> -> memref<1x50xi32, #tpu.memory_space<vmem>>
    %dma_start3A_13 = tpu.memref_squeeze %dma_start3A_12 : memref<1x50xi32, #tpu.memory_space<vmem>> -> memref<50xi32, #tpu.memory_space<vmem>>
    %dma_start3A_14 = arith.constant 0 : i32
    %dma_start3A_15 = arith.constant 0 : i32
    %dma_start3A_16 = tpu.memref_slice %arg2[%dma_start3A_14, %dma_start3A_15] : memref<1000x128xf32, #tpu.memory_space<hbm>> -> memref<1000x128xf32, #tpu.memory_space<hbm>>
    tpu.enqueue_indirect_dma source(%dma_start3A_16 : memref<1000x128xf32, #tpu.memory_space<hbm>>) target(%dma_start3A_10 : memref<50x128xf32, #tpu.memory_space<vmem>>) offsets(%dma_start3A_13 : memref<50xi32, #tpu.memory_space<vmem>>) semaphore(%arg8 : memref<!tpu.dma_semaphore, #tpu.memory_space<semaphore_mem>>)
    %dma_start3A_17 = arith.constant 1 : i32
    %dma_start3A_18 = arith.constant 0 : i32
    %dma_start3A_19 = arith.constant 1 : i32
    %dma_start3A_20 = arith.constant 0 : i32
    %dma_start3A_21 = arith.constant 0 : i32
    %dma_start3A_22 = tpu.memref_slice %arg7[%dma_start3A_18, %dma_start3A_19, %dma_start3A_20, %dma_start3A_21] : memref<2x4x50x128xf32, #tpu.memory_space<vmem>> -> memref<1x1x50x128xf32, #tpu.memory_space<vmem>>
    %dma_start3A_23 = tpu.memref_squeeze %dma_start3A_22 : memref<1x1x50x128xf32, #tpu.memory_space<vmem>> -> memref<50x128xf32, #tpu.memory_space<vmem>>
    %dma_start3A_24 = arith.constant 0 : i32
    %dma_start3A_25 = tpu.memref_slice %arg5[%dma_start3A_17, %dma_start3A_24] : memref<4x50xi32, #tpu.memory_space<vmem>> -> memref<1x50xi32, #tpu.memory_space<vmem>>
    %dma_start3A_26 = tpu.memref_squeeze %dma_start3A_25 : memref<1x50xi32, #tpu.memory_space<vmem>> -> memref<50xi32, #tpu.memory_space<vmem>>
    %dma_start3A_27 = arith.constant 0 : i32
    %dma_start3A_28 = arith.constant 0 : i32
    %dma_start3A_29 = tpu.memref_slice %arg2[%dma_start3A_27, %dma_start3A_28] : memref<1000x128xf32, #tpu.memory_space<hbm>> -> memref<1000x128xf32, #tpu.memory_space<hbm>>
    tpu.enqueue_indirect_dma source(%dma_start3A_29 : memref<1000x128xf32, #tpu.memory_space<hbm>>) target(%dma_start3A_23 : memref<50x128xf32, #tpu.memory_space<vmem>>) offsets(%dma_start3A_26 : memref<50xi32, #tpu.memory_space<vmem>>) semaphore(%arg8 : memref<!tpu.dma_semaphore, #tpu.memory_space<semaphore_mem>>)
    %dma_start3A_30 = arith.constant 2 : i32
    %dma_start3A_31 = arith.constant 0 : i32
    %dma_start3A_32 = arith.constant 2 : i32
    %dma_start3A_33 = arith.constant 0 : i32
    %dma_start3A_34 = arith.constant 0 : i32
    %dma_start3A_35 = tpu.memref_slice %arg7[%dma_start3A_31, %dma_start3A_32, %dma_start3A_33, %dma_start3A_34] : memref<2x4x50x128xf32, #tpu.memory_space<vmem>> -> memref<1x1x50x128xf32, #tpu.memory_space<vmem>>
    %dma_start3A_36 = tpu.memref_squeeze %dma_start3A_35 : memref<1x1x50x128xf32, #tpu.memory_space<vmem>> -> memref<50x128xf32, #tpu.memory_space<vmem>>
    %dma_start3A_37 = arith.constant 0 : i32
    %dma_start3A_38 = tpu.memref_slice %arg5[%dma_start3A_30, %dma_start3A_37] : memref<4x50xi32, #tpu.memory_space<vmem>> -> memref<1x50xi32, #tpu.memory_space<vmem>>
    %dma_start3A_39 = tpu.memref_squeeze %dma_start3A_38 : memref<1x50xi32, #tpu.memory_space<vmem>> -> memref<50xi32, #tpu.memory_space<vmem>>
    %dma_start3A_40 = arith.constant 0 : i32
    %dma_start3A_41 = arith.constant 0 : i32
    %dma_start3A_42 = tpu.memref_slice %arg2[%dma_start3A_40, %dma_start3A_41] : memref<1000x128xf32, #tpu.memory_space<hbm>> -> memref<1000x128xf32, #tpu.memory_space<hbm>>
    tpu.enqueue_indirect_dma source(%dma_start3A_42 : memref<1000x128xf32, #tpu.memory_space<hbm>>) target(%dma_start3A_36 : memref<50x128xf32, #tpu.memory_space<vmem>>) offsets(%dma_start3A_39 : memref<50xi32, #tpu.memory_space<vmem>>) semaphore(%arg8 : memref<!tpu.dma_semaphore, #tpu.memory_space<semaphore_mem>>)
    %dma_start3A_43 = arith.constant 3 : i32
    %dma_start3A_44 = arith.constant 0 : i32
    %dma_start3A_45 = arith.constant 3 : i32
    %dma_start3A_46 = arith.constant 0 : i32
    %dma_start3A_47 = arith.constant 0 : i32
    %dma_start3A_48 = tpu.memref_slice %arg7[%dma_start3A_44, %dma_start3A_45, %dma_start3A_46, %dma_start3A_47] : memref<2x4x50x128xf32, #tpu.memory_space<vmem>> -> memref<1x1x50x128xf32, #tpu.memory_space<vmem>>
    %dma_start3A_49 = tpu.memref_squeeze %dma_start3A_48 : memref<1x1x50x128xf32, #tpu.memory_space<vmem>> -> memref<50x128xf32, #tpu.memory_space<vmem>>
    %dma_start3A_50 = arith.constant 0 : i32
    %dma_start3A_51 = tpu.memref_slice %arg5[%dma_start3A_43, %dma_start3A_50] : memref<4x50xi32, #tpu.memory_space<vmem>> -> memref<1x50xi32, #tpu.memory_space<vmem>>
    %dma_start3A_52 = tpu.memref_squeeze %dma_start3A_51 : memref<1x50xi32, #tpu.memory_space<vmem>> -> memref<50xi32, #tpu.memory_space<vmem>>
    %dma_start3A_53 = arith.constant 0 : i32
    %dma_start3A_54 = arith.constant 0 : i32
    %dma_start3A_55 = tpu.memref_slice %arg2[%dma_start3A_53, %dma_start3A_54] : memref<1000x128xf32, #tpu.memory_space<hbm>> -> memref<1000x128xf32, #tpu.memory_space<hbm>>
    tpu.enqueue_indirect_dma source(%dma_start3A_55 : memref<1000x128xf32, #tpu.memory_space<hbm>>) target(%dma_start3A_49 : memref<50x128xf32, #tpu.memory_space<vmem>>) offsets(%dma_start3A_52 : memref<50xi32, #tpu.memory_space<vmem>>) semaphore(%arg8 : memref<!tpu.dma_semaphore, #tpu.memory_space<semaphore_mem>>)
    %dma_start3A_56 = arith.constant 0 : i32
    %dma_start3A_57 = arith.constant 1 : i32
    %dma_start3A_58 = arith.constant 0 : i32
    %dma_start3A_59 = arith.constant 0 : i32
    %dma_start3A_60 = arith.constant 0 : i32
    %dma_start3A_61 = tpu.memref_slice %arg7[%dma_start3A_57, %dma_start3A_58, %dma_start3A_59, %dma_start3A_60] : memref<2x4x50x128xf32, #tpu.memory_space<vmem>> -> memref<1x1x50x128xf32, #tpu.memory_space<vmem>>
    %dma_start3A_62 = tpu.memref_squeeze %dma_start3A_61 : memref<1x1x50x128xf32, #tpu.memory_space<vmem>> -> memref<50x128xf32, #tpu.memory_space<vmem>>
    %dma_start3A_63 = arith.constant 0 : i32
    %dma_start3A_64 = tpu.memref_slice %arg6[%dma_start3A_56, %dma_start3A_63] : memref<4x50xi32, #tpu.memory_space<vmem>> -> memref<1x50xi32, #tpu.memory_space<vmem>>
    %dma_start3A_65 = tpu.memref_squeeze %dma_start3A_64 : memref<1x50xi32, #tpu.memory_space<vmem>> -> memref<50xi32, #tpu.memory_space<vmem>>
    %dma_start3A_66 = arith.constant 0 : i32
    %dma_start3A_67 = arith.constant 0 : i32
    %dma_start3A_68 = tpu.memref_slice %arg2[%dma_start3A_66, %dma_start3A_67] : memref<1000x128xf32, #tpu.memory_space<hbm>> -> memref<1000x128xf32, #tpu.memory_space<hbm>>
    tpu.enqueue_indirect_dma source(%dma_start3A_68 : memref<1000x128xf32, #tpu.memory_space<hbm>>) target(%dma_start3A_62 : memref<50x128xf32, #tpu.memory_space<vmem>>) offsets(%dma_start3A_65 : memref<50xi32, #tpu.memory_space<vmem>>) semaphore(%arg9 : memref<!tpu.dma_semaphore, #tpu.memory_space<semaphore_mem>>)
    %dma_start3A_69 = arith.constant 1 : i32
    %dma_start3A_70 = arith.constant 1 : i32
    %dma_start3A_71 = arith.constant 1 : i32
    %dma_start3A_72 = arith.constant 0 : i32
    %dma_start3A_73 = arith.constant 0 : i32
    %dma_start3A_74 = tpu.memref_slice %arg7[%dma_start3A_70, %dma_start3A_71, %dma_start3A_72, %dma_start3A_73] : memref<2x4x50x128xf32, #tpu.memory_space<vmem>> -> memref<1x1x50x128xf32, #tpu.memory_space<vmem>>
    %dma_start3A_75 = tpu.memref_squeeze %dma_start3A_74 : memref<1x1x50x128xf32, #tpu.memory_space<vmem>> -> memref<50x128xf32, #tpu.memory_space<vmem>>
    %dma_start3A_76 = arith.constant 0 : i32
    %dma_start3A_77 = tpu.memref_slice %arg6[%dma_start3A_69, %dma_start3A_76] : memref<4x50xi32, #tpu.memory_space<vmem>> -> memref<1x50xi32, #tpu.memory_space<vmem>>
    %dma_start3A_78 = tpu.memref_squeeze %dma_start3A_77 : memref<1x50xi32, #tpu.memory_space<vmem>> -> memref<50xi32, #tpu.memory_space<vmem>>
    %dma_start3A_79 = arith.constant 0 : i32
    %dma_start3A_80 = arith.constant 0 : i32
    %dma_start3A_81 = tpu.memref_slice %arg2[%dma_start3A_79, %dma_start3A_80] : memref<1000x128xf32, #tpu.memory_space<hbm>> -> memref<1000x128xf32, #tpu.memory_space<hbm>>
    tpu.enqueue_indirect_dma source(%dma_start3A_81 : memref<1000x128xf32, #tpu.memory_space<hbm>>) target(%dma_start3A_75 : memref<50x128xf32, #tpu.memory_space<vmem>>) offsets(%dma_start3A_78 : memref<50xi32, #tpu.memory_space<vmem>>) semaphore(%arg9 : memref<!tpu.dma_semaphore, #tpu.memory_space<semaphore_mem>>)
    %dma_start3A_82 = arith.constant 2 : i32
    %dma_start3A_83 = arith.constant 1 : i32
    %dma_start3A_84 = arith.constant 2 : i32
    %dma_start3A_85 = arith.constant 0 : i32
    %dma_start3A_86 = arith.constant 0 : i32
    %dma_start3A_87 = tpu.memref_slice %arg7[%dma_start3A_83, %dma_start3A_84, %dma_start3A_85, %dma_start3A_86] : memref<2x4x50x128xf32, #tpu.memory_space<vmem>> -> memref<1x1x50x128xf32, #tpu.memory_space<vmem>>
    %dma_start3A_88 = tpu.memref_squeeze %dma_start3A_87 : memref<1x1x50x128xf32, #tpu.memory_space<vmem>> -> memref<50x128xf32, #tpu.memory_space<vmem>>
    %dma_start3A_89 = arith.constant 0 : i32
    %dma_start3A_90 = tpu.memref_slice %arg6[%dma_start3A_82, %dma_start3A_89] : memref<4x50xi32, #tpu.memory_space<vmem>> -> memref<1x50xi32, #tpu.memory_space<vmem>>
    %dma_start3A_91 = tpu.memref_squeeze %dma_start3A_90 : memref<1x50xi32, #tpu.memory_space<vmem>> -> memref<50xi32, #tpu.memory_space<vmem>>
    %dma_start3A_92 = arith.constant 0 : i32
    %dma_start3A_93 = arith.constant 0 : i32
    %dma_start3A_94 = tpu.memref_slice %arg2[%dma_start3A_92, %dma_start3A_93] : memref<1000x128xf32, #tpu.memory_space<hbm>> -> memref<1000x128xf32, #tpu.memory_space<hbm>>
    tpu.enqueue_indirect_dma source(%dma_start3A_94 : memref<1000x128xf32, #tpu.memory_space<hbm>>) target(%dma_start3A_88 : memref<50x128xf32, #tpu.memory_space<vmem>>) offsets(%dma_start3A_91 : memref<50xi32, #tpu.memory_space<vmem>>) semaphore(%arg9 : memref<!tpu.dma_semaphore, #tpu.memory_space<semaphore_mem>>)
    %dma_start3A_95 = arith.constant 3 : i32
    %dma_start3A_96 = arith.constant 1 : i32
    %dma_start3A_97 = arith.constant 3 : i32
    %dma_start3A_98 = arith.constant 0 : i32
    %dma_start3A_99 = arith.constant 0 : i32
    %dma_start3A_100 = tpu.memref_slice %arg7[%dma_start3A_96, %dma_start3A_97, %dma_start3A_98, %dma_start3A_99] : memref<2x4x50x128xf32, #tpu.memory_space<vmem>> -> memref<1x1x50x128xf32, #tpu.memory_space<vmem>>
    %dma_start3A_101 = tpu.memref_squeeze %dma_start3A_100 : memref<1x1x50x128xf32, #tpu.memory_space<vmem>> -> memref<50x128xf32, #tpu.memory_space<vmem>>
    %dma_start3A_102 = arith.constant 0 : i32
    %dma_start3A_103 = tpu.memref_slice %arg6[%dma_start3A_95, %dma_start3A_102] : memref<4x50xi32, #tpu.memory_space<vmem>> -> memref<1x50xi32, #tpu.memory_space<vmem>>
    %dma_start3A_104 = tpu.memref_squeeze %dma_start3A_103 : memref<1x50xi32, #tpu.memory_space<vmem>> -> memref<50xi32, #tpu.memory_space<vmem>>
    %dma_start3A_105 = arith.constant 0 : i32
    %dma_start3A_106 = arith.constant 0 : i32
    %dma_start3A_107 = tpu.memref_slice %arg2[%dma_start3A_105, %dma_start3A_106] : memref<1000x128xf32, #tpu.memory_space<hbm>> -> memref<1000x128xf32, #tpu.memory_space<hbm>>
    tpu.enqueue_indirect_dma source(%dma_start3A_107 : memref<1000x128xf32, #tpu.memory_space<hbm>>) target(%dma_start3A_101 : memref<50x128xf32, #tpu.memory_space<vmem>>) offsets(%dma_start3A_104 : memref<50xi32, #tpu.memory_space<vmem>>) semaphore(%arg9 : memref<!tpu.dma_semaphore, #tpu.memory_space<semaphore_mem>>)
    %scan3A = arith.constant 0 : i32
    %scan3A_108 = arith.constant 0 : i32
    %scan3A_109 = arith.constant 3 : i32
    %scan3A_110 = arith.addi %scan3A_108, %scan3A_109 : i32
    %scan3A_111 = arith.constant 1 : i32
    scf.for %scan3A_292 = %scan3A_108 to %scan3A_110 step %scan3A_111  : i32 {
      %mul3A_293 = arith.constant 2 : i32
      %mul3A_294 = arith.muli %mul3A_293, %scan3A_292 : i32
      %add3A_295 = arith.constant 1 : i32
      %add3A_296 = arith.addi %mul3A_294, %add3A_295 : i32
      %dma_wait3A_297 = arith.constant 0 : i32
      %dma_wait3A_298 = arith.constant 0 : i32
      %dma_wait3A_299 = arith.constant 0 : i32
      %dma_wait3A_300 = arith.constant 0 : i32
      %dma_wait3A_301 = arith.constant 0 : i32
      %dma_wait3A_302 = tpu.memref_slice %arg7[%dma_wait3A_298, %dma_wait3A_299, %dma_wait3A_300, %dma_wait3A_301] : memref<2x4x50x128xf32, #tpu.memory_space<vmem>> -> memref<1x1x50x128xf32, #tpu.memory_space<vmem>>
      %dma_wait3A_303 = tpu.memref_squeeze %dma_wait3A_302 : memref<1x1x50x128xf32, #tpu.memory_space<vmem>> -> memref<50x128xf32, #tpu.memory_space<vmem>>
      %dma_wait3A_304 = arith.constant 0 : i32
      %dma_wait3A_305 = tpu.memref_slice %arg5[%dma_wait3A_297, %dma_wait3A_304] : memref<4x50xi32, #tpu.memory_space<vmem>> -> memref<1x50xi32, #tpu.memory_space<vmem>>
      %dma_wait3A_306 = tpu.memref_squeeze %dma_wait3A_305 : memref<1x50xi32, #tpu.memory_space<vmem>> -> memref<50xi32, #tpu.memory_space<vmem>>
      %dma_wait3A_307 = arith.constant 0 : i32
      %dma_wait3A_308 = arith.constant 0 : i32
      %dma_wait3A_309 = tpu.memref_slice %arg2[%dma_wait3A_307, %dma_wait3A_308] : memref<1000x128xf32, #tpu.memory_space<hbm>> -> memref<1000x128xf32, #tpu.memory_space<hbm>>
      tpu.wait_indirect_dma semaphore(%arg8 : memref<!tpu.dma_semaphore, #tpu.memory_space<semaphore_mem>>) src(%dma_wait3A_309 : memref<1000x128xf32, #tpu.memory_space<hbm>>) dst(%dma_wait3A_303 : memref<50x128xf32, #tpu.memory_space<vmem>>)
      %dma_wait3A_310 = arith.constant 1 : i32
      %dma_wait3A_311 = arith.constant 0 : i32
      %dma_wait3A_312 = arith.constant 1 : i32
      %dma_wait3A_313 = arith.constant 0 : i32
      %dma_wait3A_314 = arith.constant 0 : i32
      %dma_wait3A_315 = tpu.memref_slice %arg7[%dma_wait3A_311, %dma_wait3A_312, %dma_wait3A_313, %dma_wait3A_314] : memref<2x4x50x128xf32, #tpu.memory_space<vmem>> -> memref<1x1x50x128xf32, #tpu.memory_space<vmem>>
      %dma_wait3A_316 = tpu.memref_squeeze %dma_wait3A_315 : memref<1x1x50x128xf32, #tpu.memory_space<vmem>> -> memref<50x128xf32, #tpu.memory_space<vmem>>
      %dma_wait3A_317 = arith.constant 0 : i32
      %dma_wait3A_318 = tpu.memref_slice %arg5[%dma_wait3A_310, %dma_wait3A_317] : memref<4x50xi32, #tpu.memory_space<vmem>> -> memref<1x50xi32, #tpu.memory_space<vmem>>
      %dma_wait3A_319 = tpu.memref_squeeze %dma_wait3A_318 : memref<1x50xi32, #tpu.memory_space<vmem>> -> memref<50xi32, #tpu.memory_space<vmem>>
      %dma_wait3A_320 = arith.constant 0 : i32
      %dma_wait3A_321 = arith.constant 0 : i32
      %dma_wait3A_322 = tpu.memref_slice %arg2[%dma_wait3A_320, %dma_wait3A_321] : memref<1000x128xf32, #tpu.memory_space<hbm>> -> memref<1000x128xf32, #tpu.memory_space<hbm>>
      tpu.wait_indirect_dma semaphore(%arg8 : memref<!tpu.dma_semaphore, #tpu.memory_space<semaphore_mem>>) src(%dma_wait3A_322 : memref<1000x128xf32, #tpu.memory_space<hbm>>) dst(%dma_wait3A_316 : memref<50x128xf32, #tpu.memory_space<vmem>>)
      %dma_wait3A_323 = arith.constant 2 : i32
      %dma_wait3A_324 = arith.constant 0 : i32
      %dma_wait3A_325 = arith.constant 2 : i32
      %dma_wait3A_326 = arith.constant 0 : i32
      %dma_wait3A_327 = arith.constant 0 : i32
      %dma_wait3A_328 = tpu.memref_slice %arg7[%dma_wait3A_324, %dma_wait3A_325, %dma_wait3A_326, %dma_wait3A_327] : memref<2x4x50x128xf32, #tpu.memory_space<vmem>> -> memref<1x1x50x128xf32, #tpu.memory_space<vmem>>
      %dma_wait3A_329 = tpu.memref_squeeze %dma_wait3A_328 : memref<1x1x50x128xf32, #tpu.memory_space<vmem>> -> memref<50x128xf32, #tpu.memory_space<vmem>>
      %dma_wait3A_330 = arith.constant 0 : i32
      %dma_wait3A_331 = tpu.memref_slice %arg5[%dma_wait3A_323, %dma_wait3A_330] : memref<4x50xi32, #tpu.memory_space<vmem>> -> memref<1x50xi32, #tpu.memory_space<vmem>>
      %dma_wait3A_332 = tpu.memref_squeeze %dma_wait3A_331 : memref<1x50xi32, #tpu.memory_space<vmem>> -> memref<50xi32, #tpu.memory_space<vmem>>
      %dma_wait3A_333 = arith.constant 0 : i32
      %dma_wait3A_334 = arith.constant 0 : i32
      %dma_wait3A_335 = tpu.memref_slice %arg2[%dma_wait3A_333, %dma_wait3A_334] : memref<1000x128xf32, #tpu.memory_space<hbm>> -> memref<1000x128xf32, #tpu.memory_space<hbm>>
      tpu.wait_indirect_dma semaphore(%arg8 : memref<!tpu.dma_semaphore, #tpu.memory_space<semaphore_mem>>) src(%dma_wait3A_335 : memref<1000x128xf32, #tpu.memory_space<hbm>>) dst(%dma_wait3A_329 : memref<50x128xf32, #tpu.memory_space<vmem>>)
      %dma_wait3A_336 = arith.constant 3 : i32
      %dma_wait3A_337 = arith.constant 0 : i32
      %dma_wait3A_338 = arith.constant 3 : i32
      %dma_wait3A_339 = arith.constant 0 : i32
      %dma_wait3A_340 = arith.constant 0 : i32
      %dma_wait3A_341 = tpu.memref_slice %arg7[%dma_wait3A_337, %dma_wait3A_338, %dma_wait3A_339, %dma_wait3A_340] : memref<2x4x50x128xf32, #tpu.memory_space<vmem>> -> memref<1x1x50x128xf32, #tpu.memory_space<vmem>>
      %dma_wait3A_342 = tpu.memref_squeeze %dma_wait3A_341 : memref<1x1x50x128xf32, #tpu.memory_space<vmem>> -> memref<50x128xf32, #tpu.memory_space<vmem>>
      %dma_wait3A_343 = arith.constant 0 : i32
      %dma_wait3A_344 = tpu.memref_slice %arg5[%dma_wait3A_336, %dma_wait3A_343] : memref<4x50xi32, #tpu.memory_space<vmem>> -> memref<1x50xi32, #tpu.memory_space<vmem>>
      %dma_wait3A_345 = tpu.memref_squeeze %dma_wait3A_344 : memref<1x50xi32, #tpu.memory_space<vmem>> -> memref<50xi32, #tpu.memory_space<vmem>>
      %dma_wait3A_346 = arith.constant 0 : i32
      %dma_wait3A_347 = arith.constant 0 : i32
      %dma_wait3A_348 = tpu.memref_slice %arg2[%dma_wait3A_346, %dma_wait3A_347] : memref<1000x128xf32, #tpu.memory_space<hbm>> -> memref<1000x128xf32, #tpu.memory_space<hbm>>
      tpu.wait_indirect_dma semaphore(%arg8 : memref<!tpu.dma_semaphore, #tpu.memory_space<semaphore_mem>>) src(%dma_wait3A_348 : memref<1000x128xf32, #tpu.memory_space<hbm>>) dst(%dma_wait3A_342 : memref<50x128xf32, #tpu.memory_space<vmem>>)
      %add3A_349 = arith.constant 2 : i32
      %add3A_350 = arith.addi %mul3A_294, %add3A_349 : i32
      %mul3A_351 = arith.constant 4 : i32
      %mul3A_352 = arith.muli %add3A_350, %mul3A_351 : i32
      %add3A_353 = arith.addi %mul3A_2, %mul3A_352 : i32
      %dma_start3A_354 = arith.constant 0 : i32
      %dma_start3A_355 = tpu.memref_slice %arg3[%add3A_353, %dma_start3A_354] : memref<1024x50xi32, #tpu.memory_space<hbm>> -> memref<4x50xi32, #tpu.memory_space<hbm>>
      %dma_start3A_356 = arith.constant 0 : i32
      %dma_start3A_357 = tpu.memref_slice %arg3[%add3A_353, %dma_start3A_356] : memref<1024x50xi32, #tpu.memory_space<hbm>> -> memref<4x50xi32, #tpu.memory_space<hbm>>
      tpu.enqueue_dma source(%dma_start3A_357 : memref<4x50xi32, #tpu.memory_space<hbm>>) target(%arg5 : memref<4x50xi32, #tpu.memory_space<vmem>>) target_semaphore(%arg12 : memref<!tpu.dma_semaphore, #tpu.memory_space<semaphore_mem>>)
      %mul3A_358 = arith.constant 4 : i32
      %mul3A_359 = arith.muli %mul3A_294, %mul3A_358 : i32
      %add3A_360 = arith.addi %mul3A_2, %mul3A_359 : i32
      %dma_start3A_361 = arith.constant 0 : i32
      %dma_start3A_362 = arith.constant 0 : i32
      %dma_start3A_363 = arith.constant 0 : i32
      %dma_start3A_364 = arith.constant 0 : i32
      %dma_start3A_365 = tpu.memref_slice %arg7[%dma_start3A_361, %dma_start3A_362, %dma_start3A_363, %dma_start3A_364] : memref<2x4x50x128xf32, #tpu.memory_space<vmem>> -> memref<1x4x50x128xf32, #tpu.memory_space<vmem>>
      %dma_start3A_366 = tpu.memref_squeeze %dma_start3A_365 : memref<1x4x50x128xf32, #tpu.memory_space<vmem>> -> memref<4x50x128xf32, #tpu.memory_space<vmem>>
      %dma_start3A_367 = arith.constant 0 : i32
      %dma_start3A_368 = arith.constant 0 : i32
      %dma_start3A_369 = tpu.memref_slice %arg4[%add3A_360, %dma_start3A_367, %dma_start3A_368] : memref<1024x50x128xf32, #tpu.memory_space<hbm>> -> memref<4x50x128xf32, #tpu.memory_space<hbm>>
      %dma_start3A_370 = arith.constant 0 : i32
      %dma_start3A_371 = arith.constant 0 : i32
      %dma_start3A_372 = tpu.memref_slice %arg4[%add3A_360, %dma_start3A_370, %dma_start3A_371] : memref<1024x50x128xf32, #tpu.memory_space<hbm>> -> memref<4x50x128xf32, #tpu.memory_space<hbm>>
      %dma_start3A_373 = arith.constant 0 : i32
      %dma_start3A_374 = arith.constant 0 : i32
      %dma_start3A_375 = arith.constant 0 : i32
      %dma_start3A_376 = tpu.memref_slice %arg7[%dma_start3A_361, %dma_start3A_373, %dma_start3A_374, %dma_start3A_375] : memref<2x4x50x128xf32, #tpu.memory_space<vmem>> -> memref<1x4x50x128xf32, #tpu.memory_space<vmem>>
      %dma_start3A_377 = tpu.memref_squeeze %dma_start3A_376 : memref<1x4x50x128xf32, #tpu.memory_space<vmem>> -> memref<4x50x128xf32, #tpu.memory_space<vmem>>
      tpu.enqueue_dma source(%dma_start3A_377 : memref<4x50x128xf32, #tpu.memory_space<vmem>>) target(%dma_start3A_372 : memref<4x50x128xf32, #tpu.memory_space<hbm>>) target_semaphore(%arg10 : memref<!tpu.dma_semaphore, #tpu.memory_space<semaphore_mem>>)
      %dma_wait3A_378 = arith.constant 0 : i32
      %dma_wait3A_379 = arith.constant 1 : i32
      %dma_wait3A_380 = arith.constant 0 : i32
      %dma_wait3A_381 = arith.constant 0 : i32
      %dma_wait3A_382 = arith.constant 0 : i32
      %dma_wait3A_383 = tpu.memref_slice %arg7[%dma_wait3A_379, %dma_wait3A_380, %dma_wait3A_381, %dma_wait3A_382] : memref<2x4x50x128xf32, #tpu.memory_space<vmem>> -> memref<1x1x50x128xf32, #tpu.memory_space<vmem>>
      %dma_wait3A_384 = tpu.memref_squeeze %dma_wait3A_383 : memref<1x1x50x128xf32, #tpu.memory_space<vmem>> -> memref<50x128xf32, #tpu.memory_space<vmem>>
      %dma_wait3A_385 = arith.constant 0 : i32
      %dma_wait3A_386 = tpu.memref_slice %arg6[%dma_wait3A_378, %dma_wait3A_385] : memref<4x50xi32, #tpu.memory_space<vmem>> -> memref<1x50xi32, #tpu.memory_space<vmem>>
      %dma_wait3A_387 = tpu.memref_squeeze %dma_wait3A_386 : memref<1x50xi32, #tpu.memory_space<vmem>> -> memref<50xi32, #tpu.memory_space<vmem>>
      %dma_wait3A_388 = arith.constant 0 : i32
      %dma_wait3A_389 = arith.constant 0 : i32
      %dma_wait3A_390 = tpu.memref_slice %arg2[%dma_wait3A_388, %dma_wait3A_389] : memref<1000x128xf32, #tpu.memory_space<hbm>> -> memref<1000x128xf32, #tpu.memory_space<hbm>>
      tpu.wait_indirect_dma semaphore(%arg9 : memref<!tpu.dma_semaphore, #tpu.memory_space<semaphore_mem>>) src(%dma_wait3A_390 : memref<1000x128xf32, #tpu.memory_space<hbm>>) dst(%dma_wait3A_384 : memref<50x128xf32, #tpu.memory_space<vmem>>)
      %dma_wait3A_391 = arith.constant 1 : i32
      %dma_wait3A_392 = arith.constant 1 : i32
      %dma_wait3A_393 = arith.constant 1 : i32
      %dma_wait3A_394 = arith.constant 0 : i32
      %dma_wait3A_395 = arith.constant 0 : i32
      %dma_wait3A_396 = tpu.memref_slice %arg7[%dma_wait3A_392, %dma_wait3A_393, %dma_wait3A_394, %dma_wait3A_395] : memref<2x4x50x128xf32, #tpu.memory_space<vmem>> -> memref<1x1x50x128xf32, #tpu.memory_space<vmem>>
      %dma_wait3A_397 = tpu.memref_squeeze %dma_wait3A_396 : memref<1x1x50x128xf32, #tpu.memory_space<vmem>> -> memref<50x128xf32, #tpu.memory_space<vmem>>
      %dma_wait3A_398 = arith.constant 0 : i32
      %dma_wait3A_399 = tpu.memref_slice %arg6[%dma_wait3A_391, %dma_wait3A_398] : memref<4x50xi32, #tpu.memory_space<vmem>> -> memref<1x50xi32, #tpu.memory_space<vmem>>
      %dma_wait3A_400 = tpu.memref_squeeze %dma_wait3A_399 : memref<1x50xi32, #tpu.memory_space<vmem>> -> memref<50xi32, #tpu.memory_space<vmem>>
      %dma_wait3A_401 = arith.constant 0 : i32
      %dma_wait3A_402 = arith.constant 0 : i32
      %dma_wait3A_403 = tpu.memref_slice %arg2[%dma_wait3A_401, %dma_wait3A_402] : memref<1000x128xf32, #tpu.memory_space<hbm>> -> memref<1000x128xf32, #tpu.memory_space<hbm>>
      tpu.wait_indirect_dma semaphore(%arg9 : memref<!tpu.dma_semaphore, #tpu.memory_space<semaphore_mem>>) src(%dma_wait3A_403 : memref<1000x128xf32, #tpu.memory_space<hbm>>) dst(%dma_wait3A_397 : memref<50x128xf32, #tpu.memory_space<vmem>>)
      %dma_wait3A_404 = arith.constant 2 : i32
      %dma_wait3A_405 = arith.constant 1 : i32
      %dma_wait3A_406 = arith.constant 2 : i32
      %dma_wait3A_407 = arith.constant 0 : i32
      %dma_wait3A_408 = arith.constant 0 : i32
      %dma_wait3A_409 = tpu.memref_slice %arg7[%dma_wait3A_405, %dma_wait3A_406, %dma_wait3A_407, %dma_wait3A_408] : memref<2x4x50x128xf32, #tpu.memory_space<vmem>> -> memref<1x1x50x128xf32, #tpu.memory_space<vmem>>
      %dma_wait3A_410 = tpu.memref_squeeze %dma_wait3A_409 : memref<1x1x50x128xf32, #tpu.memory_space<vmem>> -> memref<50x128xf32, #tpu.memory_space<vmem>>
      %dma_wait3A_411 = arith.constant 0 : i32
      %dma_wait3A_412 = tpu.memref_slice %arg6[%dma_wait3A_404, %dma_wait3A_411] : memref<4x50xi32, #tpu.memory_space<vmem>> -> memref<1x50xi32, #tpu.memory_space<vmem>>
      %dma_wait3A_413 = tpu.memref_squeeze %dma_wait3A_412 : memref<1x50xi32, #tpu.memory_space<vmem>> -> memref<50xi32, #tpu.memory_space<vmem>>
      %dma_wait3A_414 = arith.constant 0 : i32
      %dma_wait3A_415 = arith.constant 0 : i32
      %dma_wait3A_416 = tpu.memref_slice %arg2[%dma_wait3A_414, %dma_wait3A_415] : memref<1000x128xf32, #tpu.memory_space<hbm>> -> memref<1000x128xf32, #tpu.memory_space<hbm>>
      tpu.wait_indirect_dma semaphore(%arg9 : memref<!tpu.dma_semaphore, #tpu.memory_space<semaphore_mem>>) src(%dma_wait3A_416 : memref<1000x128xf32, #tpu.memory_space<hbm>>) dst(%dma_wait3A_410 : memref<50x128xf32, #tpu.memory_space<vmem>>)
      %dma_wait3A_417 = arith.constant 3 : i32
      %dma_wait3A_418 = arith.constant 1 : i32
      %dma_wait3A_419 = arith.constant 3 : i32
      %dma_wait3A_420 = arith.constant 0 : i32
      %dma_wait3A_421 = arith.constant 0 : i32
      %dma_wait3A_422 = tpu.memref_slice %arg7[%dma_wait3A_418, %dma_wait3A_419, %dma_wait3A_420, %dma_wait3A_421] : memref<2x4x50x128xf32, #tpu.memory_space<vmem>> -> memref<1x1x50x128xf32, #tpu.memory_space<vmem>>
      %dma_wait3A_423 = tpu.memref_squeeze %dma_wait3A_422 : memref<1x1x50x128xf32, #tpu.memory_space<vmem>> -> memref<50x128xf32, #tpu.memory_space<vmem>>
      %dma_wait3A_424 = arith.constant 0 : i32
      %dma_wait3A_425 = tpu.memref_slice %arg6[%dma_wait3A_417, %dma_wait3A_424] : memref<4x50xi32, #tpu.memory_space<vmem>> -> memref<1x50xi32, #tpu.memory_space<vmem>>
      %dma_wait3A_426 = tpu.memref_squeeze %dma_wait3A_425 : memref<1x50xi32, #tpu.memory_space<vmem>> -> memref<50xi32, #tpu.memory_space<vmem>>
      %dma_wait3A_427 = arith.constant 0 : i32
      %dma_wait3A_428 = arith.constant 0 : i32
      %dma_wait3A_429 = tpu.memref_slice %arg2[%dma_wait3A_427, %dma_wait3A_428] : memref<1000x128xf32, #tpu.memory_space<hbm>> -> memref<1000x128xf32, #tpu.memory_space<hbm>>
      tpu.wait_indirect_dma semaphore(%arg9 : memref<!tpu.dma_semaphore, #tpu.memory_space<semaphore_mem>>) src(%dma_wait3A_429 : memref<1000x128xf32, #tpu.memory_space<hbm>>) dst(%dma_wait3A_423 : memref<50x128xf32, #tpu.memory_space<vmem>>)
      %add3A_430 = arith.constant 2 : i32
      %add3A_431 = arith.addi %add3A_296, %add3A_430 : i32
      %mul3A_432 = arith.constant 4 : i32
      %mul3A_433 = arith.muli %add3A_431, %mul3A_432 : i32
      %add3A_434 = arith.addi %mul3A_2, %mul3A_433 : i32
      %dma_start3A_435 = arith.constant 0 : i32
      %dma_start3A_436 = tpu.memref_slice %arg3[%add3A_434, %dma_start3A_435] : memref<1024x50xi32, #tpu.memory_space<hbm>> -> memref<4x50xi32, #tpu.memory_space<hbm>>
      %dma_start3A_437 = arith.constant 0 : i32
      %dma_start3A_438 = tpu.memref_slice %arg3[%add3A_434, %dma_start3A_437] : memref<1024x50xi32, #tpu.memory_space<hbm>> -> memref<4x50xi32, #tpu.memory_space<hbm>>
      tpu.enqueue_dma source(%dma_start3A_438 : memref<4x50xi32, #tpu.memory_space<hbm>>) target(%arg6 : memref<4x50xi32, #tpu.memory_space<vmem>>) target_semaphore(%arg13 : memref<!tpu.dma_semaphore, #tpu.memory_space<semaphore_mem>>)
      %mul3A_439 = arith.constant 4 : i32
      %mul3A_440 = arith.muli %add3A_296, %mul3A_439 : i32
      %add3A_441 = arith.addi %mul3A_2, %mul3A_440 : i32
      %dma_start3A_442 = arith.constant 1 : i32
      %dma_start3A_443 = arith.constant 0 : i32
      %dma_start3A_444 = arith.constant 0 : i32
      %dma_start3A_445 = arith.constant 0 : i32
      %dma_start3A_446 = tpu.memref_slice %arg7[%dma_start3A_442, %dma_start3A_443, %dma_start3A_444, %dma_start3A_445] : memref<2x4x50x128xf32, #tpu.memory_space<vmem>> -> memref<1x4x50x128xf32, #tpu.memory_space<vmem>>
      %dma_start3A_447 = tpu.memref_squeeze %dma_start3A_446 : memref<1x4x50x128xf32, #tpu.memory_space<vmem>> -> memref<4x50x128xf32, #tpu.memory_space<vmem>>
      %dma_start3A_448 = arith.constant 0 : i32
      %dma_start3A_449 = arith.constant 0 : i32
      %dma_start3A_450 = tpu.memref_slice %arg4[%add3A_441, %dma_start3A_448, %dma_start3A_449] : memref<1024x50x128xf32, #tpu.memory_space<hbm>> -> memref<4x50x128xf32, #tpu.memory_space<hbm>>
      %dma_start3A_451 = arith.constant 0 : i32
      %dma_start3A_452 = arith.constant 0 : i32
      %dma_start3A_453 = tpu.memref_slice %arg4[%add3A_441, %dma_start3A_451, %dma_start3A_452] : memref<1024x50x128xf32, #tpu.memory_space<hbm>> -> memref<4x50x128xf32, #tpu.memory_space<hbm>>
      %dma_start3A_454 = arith.constant 0 : i32
      %dma_start3A_455 = arith.constant 0 : i32
      %dma_start3A_456 = arith.constant 0 : i32
      %dma_start3A_457 = tpu.memref_slice %arg7[%dma_start3A_442, %dma_start3A_454, %dma_start3A_455, %dma_start3A_456] : memref<2x4x50x128xf32, #tpu.memory_space<vmem>> -> memref<1x4x50x128xf32, #tpu.memory_space<vmem>>
      %dma_start3A_458 = tpu.memref_squeeze %dma_start3A_457 : memref<1x4x50x128xf32, #tpu.memory_space<vmem>> -> memref<4x50x128xf32, #tpu.memory_space<vmem>>
      tpu.enqueue_dma source(%dma_start3A_458 : memref<4x50x128xf32, #tpu.memory_space<vmem>>) target(%dma_start3A_453 : memref<4x50x128xf32, #tpu.memory_space<hbm>>) target_semaphore(%arg11 : memref<!tpu.dma_semaphore, #tpu.memory_space<semaphore_mem>>)
      %mul3A_459 = arith.constant 4 : i32
      %mul3A_460 = arith.muli %mul3A_294, %mul3A_459 : i32
      %add3A_461 = arith.addi %mul3A_2, %mul3A_460 : i32
      %dma_wait3A_462 = arith.constant 0 : i32
      %dma_wait3A_463 = arith.constant 0 : i32
      %dma_wait3A_464 = arith.constant 0 : i32
      %dma_wait3A_465 = arith.constant 0 : i32
      %dma_wait3A_466 = tpu.memref_slice %arg7[%dma_wait3A_462, %dma_wait3A_463, %dma_wait3A_464, %dma_wait3A_465] : memref<2x4x50x128xf32, #tpu.memory_space<vmem>> -> memref<1x4x50x128xf32, #tpu.memory_space<vmem>>
      %dma_wait3A_467 = tpu.memref_squeeze %dma_wait3A_466 : memref<1x4x50x128xf32, #tpu.memory_space<vmem>> -> memref<4x50x128xf32, #tpu.memory_space<vmem>>
      %dma_wait3A_468 = arith.constant 0 : i32
      %dma_wait3A_469 = arith.constant 0 : i32
      %dma_wait3A_470 = tpu.memref_slice %arg4[%add3A_461, %dma_wait3A_468, %dma_wait3A_469] : memref<1024x50x128xf32, #tpu.memory_space<hbm>> -> memref<4x50x128xf32, #tpu.memory_space<hbm>>
      %dma_wait3A_471 = arith.constant 0 : i32
      %dma_wait3A_472 = arith.constant 0 : i32
      %dma_wait3A_473 = tpu.memref_slice %arg4[%add3A_461, %dma_wait3A_471, %dma_wait3A_472] : memref<1024x50x128xf32, #tpu.memory_space<hbm>> -> memref<4x50x128xf32, #tpu.memory_space<hbm>>
      %dma_wait3A_474 = arith.constant 0 : i32
      %dma_wait3A_475 = arith.constant 0 : i32
      %dma_wait3A_476 = arith.constant 0 : i32
      %dma_wait3A_477 = tpu.memref_slice %arg7[%dma_wait3A_462, %dma_wait3A_474, %dma_wait3A_475, %dma_wait3A_476] : memref<2x4x50x128xf32, #tpu.memory_space<vmem>> -> memref<1x4x50x128xf32, #tpu.memory_space<vmem>>
      %dma_wait3A_478 = tpu.memref_squeeze %dma_wait3A_477 : memref<1x4x50x128xf32, #tpu.memory_space<vmem>> -> memref<4x50x128xf32, #tpu.memory_space<vmem>>
      tpu.wait_dma2 semaphore(%arg10 : memref<!tpu.dma_semaphore, #tpu.memory_space<semaphore_mem>>) src(%dma_wait3A_478 : memref<4x50x128xf32, #tpu.memory_space<vmem>>) dst(%dma_wait3A_473 : memref<4x50x128xf32, #tpu.memory_space<hbm>>)
      %add3A_479 = arith.constant 2 : i32
      %add3A_480 = arith.addi %mul3A_294, %add3A_479 : i32
      %mul3A_481 = arith.constant 4 : i32
      %mul3A_482 = arith.muli %add3A_480, %mul3A_481 : i32
      %add3A_483 = arith.addi %mul3A_2, %mul3A_482 : i32
      %dma_wait3A_484 = arith.constant 0 : i32
      %dma_wait3A_485 = tpu.memref_slice %arg3[%add3A_483, %dma_wait3A_484] : memref<1024x50xi32, #tpu.memory_space<hbm>> -> memref<4x50xi32, #tpu.memory_space<hbm>>
      %dma_wait3A_486 = arith.constant 0 : i32
      %dma_wait3A_487 = tpu.memref_slice %arg3[%add3A_483, %dma_wait3A_486] : memref<1024x50xi32, #tpu.memory_space<hbm>> -> memref<4x50xi32, #tpu.memory_space<hbm>>
      tpu.wait_dma2 semaphore(%arg12 : memref<!tpu.dma_semaphore, #tpu.memory_space<semaphore_mem>>) src(%dma_wait3A_487 : memref<4x50xi32, #tpu.memory_space<hbm>>) dst(%arg5 : memref<4x50xi32, #tpu.memory_space<vmem>>)
      %dma_start3A_488 = arith.constant 0 : i32
      %dma_start3A_489 = arith.constant 0 : i32
      %dma_start3A_490 = arith.constant 0 : i32
      %dma_start3A_491 = arith.constant 0 : i32
      %dma_start3A_492 = arith.constant 0 : i32
      %dma_start3A_493 = tpu.memref_slice %arg7[%dma_start3A_489, %dma_start3A_490, %dma_start3A_491, %dma_start3A_492] : memref<2x4x50x128xf32, #tpu.memory_space<vmem>> -> memref<1x1x50x128xf32, #tpu.memory_space<vmem>>
      %dma_start3A_494 = tpu.memref_squeeze %dma_start3A_493 : memref<1x1x50x128xf32, #tpu.memory_space<vmem>> -> memref<50x128xf32, #tpu.memory_space<vmem>>
      %dma_start3A_495 = arith.constant 0 : i32
      %dma_start3A_496 = tpu.memref_slice %arg5[%dma_start3A_488, %dma_start3A_495] : memref<4x50xi32, #tpu.memory_space<vmem>> -> memref<1x50xi32, #tpu.memory_space<vmem>>
      %dma_start3A_497 = tpu.memref_squeeze %dma_start3A_496 : memref<1x50xi32, #tpu.memory_space<vmem>> -> memref<50xi32, #tpu.memory_space<vmem>>
      %dma_start3A_498 = arith.constant 0 : i32
      %dma_start3A_499 = arith.constant 0 : i32
      %dma_start3A_500 = tpu.memref_slice %arg2[%dma_start3A_498, %dma_start3A_499] : memref<1000x128xf32, #tpu.memory_space<hbm>> -> memref<1000x128xf32, #tpu.memory_space<hbm>>
      tpu.enqueue_indirect_dma source(%dma_start3A_500 : memref<1000x128xf32, #tpu.memory_space<hbm>>) target(%dma_start3A_494 : memref<50x128xf32, #tpu.memory_space<vmem>>) offsets(%dma_start3A_497 : memref<50xi32, #tpu.memory_space<vmem>>) semaphore(%arg8 : memref<!tpu.dma_semaphore, #tpu.memory_space<semaphore_mem>>)
      %dma_start3A_501 = arith.constant 1 : i32
      %dma_start3A_502 = arith.constant 0 : i32
      %dma_start3A_503 = arith.constant 1 : i32
      %dma_start3A_504 = arith.constant 0 : i32
      %dma_start3A_505 = arith.constant 0 : i32
      %dma_start3A_506 = tpu.memref_slice %arg7[%dma_start3A_502, %dma_start3A_503, %dma_start3A_504, %dma_start3A_505] : memref<2x4x50x128xf32, #tpu.memory_space<vmem>> -> memref<1x1x50x128xf32, #tpu.memory_space<vmem>>
      %dma_start3A_507 = tpu.memref_squeeze %dma_start3A_506 : memref<1x1x50x128xf32, #tpu.memory_space<vmem>> -> memref<50x128xf32, #tpu.memory_space<vmem>>
      %dma_start3A_508 = arith.constant 0 : i32
      %dma_start3A_509 = tpu.memref_slice %arg5[%dma_start3A_501, %dma_start3A_508] : memref<4x50xi32, #tpu.memory_space<vmem>> -> memref<1x50xi32, #tpu.memory_space<vmem>>
      %dma_start3A_510 = tpu.memref_squeeze %dma_start3A_509 : memref<1x50xi32, #tpu.memory_space<vmem>> -> memref<50xi32, #tpu.memory_space<vmem>>
      %dma_start3A_511 = arith.constant 0 : i32
      %dma_start3A_512 = arith.constant 0 : i32
      %dma_start3A_513 = tpu.memref_slice %arg2[%dma_start3A_511, %dma_start3A_512] : memref<1000x128xf32, #tpu.memory_space<hbm>> -> memref<1000x128xf32, #tpu.memory_space<hbm>>
      tpu.enqueue_indirect_dma source(%dma_start3A_513 : memref<1000x128xf32, #tpu.memory_space<hbm>>) target(%dma_start3A_507 : memref<50x128xf32, #tpu.memory_space<vmem>>) offsets(%dma_start3A_510 : memref<50xi32, #tpu.memory_space<vmem>>) semaphore(%arg8 : memref<!tpu.dma_semaphore, #tpu.memory_space<semaphore_mem>>)
      %dma_start3A_514 = arith.constant 2 : i32
      %dma_start3A_515 = arith.constant 0 : i32
      %dma_start3A_516 = arith.constant 2 : i32
      %dma_start3A_517 = arith.constant 0 : i32
      %dma_start3A_518 = arith.constant 0 : i32
      %dma_start3A_519 = tpu.memref_slice %arg7[%dma_start3A_515, %dma_start3A_516, %dma_start3A_517, %dma_start3A_518] : memref<2x4x50x128xf32, #tpu.memory_space<vmem>> -> memref<1x1x50x128xf32, #tpu.memory_space<vmem>>
      %dma_start3A_520 = tpu.memref_squeeze %dma_start3A_519 : memref<1x1x50x128xf32, #tpu.memory_space<vmem>> -> memref<50x128xf32, #tpu.memory_space<vmem>>
      %dma_start3A_521 = arith.constant 0 : i32
      %dma_start3A_522 = tpu.memref_slice %arg5[%dma_start3A_514, %dma_start3A_521] : memref<4x50xi32, #tpu.memory_space<vmem>> -> memref<1x50xi32, #tpu.memory_space<vmem>>
      %dma_start3A_523 = tpu.memref_squeeze %dma_start3A_522 : memref<1x50xi32, #tpu.memory_space<vmem>> -> memref<50xi32, #tpu.memory_space<vmem>>
      %dma_start3A_524 = arith.constant 0 : i32
      %dma_start3A_525 = arith.constant 0 : i32
      %dma_start3A_526 = tpu.memref_slice %arg2[%dma_start3A_524, %dma_start3A_525] : memref<1000x128xf32, #tpu.memory_space<hbm>> -> memref<1000x128xf32, #tpu.memory_space<hbm>>
      tpu.enqueue_indirect_dma source(%dma_start3A_526 : memref<1000x128xf32, #tpu.memory_space<hbm>>) target(%dma_start3A_520 : memref<50x128xf32, #tpu.memory_space<vmem>>) offsets(%dma_start3A_523 : memref<50xi32, #tpu.memory_space<vmem>>) semaphore(%arg8 : memref<!tpu.dma_semaphore, #tpu.memory_space<semaphore_mem>>)
      %dma_start3A_527 = arith.constant 3 : i32
      %dma_start3A_528 = arith.constant 0 : i32
      %dma_start3A_529 = arith.constant 3 : i32
      %dma_start3A_530 = arith.constant 0 : i32
      %dma_start3A_531 = arith.constant 0 : i32
      %dma_start3A_532 = tpu.memref_slice %arg7[%dma_start3A_528, %dma_start3A_529, %dma_start3A_530, %dma_start3A_531] : memref<2x4x50x128xf32, #tpu.memory_space<vmem>> -> memref<1x1x50x128xf32, #tpu.memory_space<vmem>>
      %dma_start3A_533 = tpu.memref_squeeze %dma_start3A_532 : memref<1x1x50x128xf32, #tpu.memory_space<vmem>> -> memref<50x128xf32, #tpu.memory_space<vmem>>
      %dma_start3A_534 = arith.constant 0 : i32
      %dma_start3A_535 = tpu.memref_slice %arg5[%dma_start3A_527, %dma_start3A_534] : memref<4x50xi32, #tpu.memory_space<vmem>> -> memref<1x50xi32, #tpu.memory_space<vmem>>
      %dma_start3A_536 = tpu.memref_squeeze %dma_start3A_535 : memref<1x50xi32, #tpu.memory_space<vmem>> -> memref<50xi32, #tpu.memory_space<vmem>>
      %dma_start3A_537 = arith.constant 0 : i32
      %dma_start3A_538 = arith.constant 0 : i32
      %dma_start3A_539 = tpu.memref_slice %arg2[%dma_start3A_537, %dma_start3A_538] : memref<1000x128xf32, #tpu.memory_space<hbm>> -> memref<1000x128xf32, #tpu.memory_space<hbm>>
      tpu.enqueue_indirect_dma source(%dma_start3A_539 : memref<1000x128xf32, #tpu.memory_space<hbm>>) target(%dma_start3A_533 : memref<50x128xf32, #tpu.memory_space<vmem>>) offsets(%dma_start3A_536 : memref<50xi32, #tpu.memory_space<vmem>>) semaphore(%arg8 : memref<!tpu.dma_semaphore, #tpu.memory_space<semaphore_mem>>)
      %mul3A_540 = arith.constant 4 : i32
      %mul3A_541 = arith.muli %add3A_296, %mul3A_540 : i32
      %add3A_542 = arith.addi %mul3A_2, %mul3A_541 : i32
      %dma_wait3A_543 = arith.constant 1 : i32
      %dma_wait3A_544 = arith.constant 0 : i32
      %dma_wait3A_545 = arith.constant 0 : i32
      %dma_wait3A_546 = arith.constant 0 : i32
      %dma_wait3A_547 = tpu.memref_slice %arg7[%dma_wait3A_543, %dma_wait3A_544, %dma_wait3A_545, %dma_wait3A_546] : memref<2x4x50x128xf32, #tpu.memory_space<vmem>> -> memref<1x4x50x128xf32, #tpu.memory_space<vmem>>
      %dma_wait3A_548 = tpu.memref_squeeze %dma_wait3A_547 : memref<1x4x50x128xf32, #tpu.memory_space<vmem>> -> memref<4x50x128xf32, #tpu.memory_space<vmem>>
      %dma_wait3A_549 = arith.constant 0 : i32
      %dma_wait3A_550 = arith.constant 0 : i32
      %dma_wait3A_551 = tpu.memref_slice %arg4[%add3A_542, %dma_wait3A_549, %dma_wait3A_550] : memref<1024x50x128xf32, #tpu.memory_space<hbm>> -> memref<4x50x128xf32, #tpu.memory_space<hbm>>
      %dma_wait3A_552 = arith.constant 0 : i32
      %dma_wait3A_553 = arith.constant 0 : i32
      %dma_wait3A_554 = tpu.memref_slice %arg4[%add3A_542, %dma_wait3A_552, %dma_wait3A_553] : memref<1024x50x128xf32, #tpu.memory_space<hbm>> -> memref<4x50x128xf32, #tpu.memory_space<hbm>>
      %dma_wait3A_555 = arith.constant 0 : i32
      %dma_wait3A_556 = arith.constant 0 : i32
      %dma_wait3A_557 = arith.constant 0 : i32
      %dma_wait3A_558 = tpu.memref_slice %arg7[%dma_wait3A_543, %dma_wait3A_555, %dma_wait3A_556, %dma_wait3A_557] : memref<2x4x50x128xf32, #tpu.memory_space<vmem>> -> memref<1x4x50x128xf32, #tpu.memory_space<vmem>>
      %dma_wait3A_559 = tpu.memref_squeeze %dma_wait3A_558 : memref<1x4x50x128xf32, #tpu.memory_space<vmem>> -> memref<4x50x128xf32, #tpu.memory_space<vmem>>
      tpu.wait_dma2 semaphore(%arg11 : memref<!tpu.dma_semaphore, #tpu.memory_space<semaphore_mem>>) src(%dma_wait3A_559 : memref<4x50x128xf32, #tpu.memory_space<vmem>>) dst(%dma_wait3A_554 : memref<4x50x128xf32, #tpu.memory_space<hbm>>)
      %add3A_560 = arith.constant 2 : i32
      %add3A_561 = arith.addi %add3A_296, %add3A_560 : i32
      %mul3A_562 = arith.constant 4 : i32
      %mul3A_563 = arith.muli %add3A_561, %mul3A_562 : i32
      %add3A_564 = arith.addi %mul3A_2, %mul3A_563 : i32
      %dma_wait3A_565 = arith.constant 0 : i32
      %dma_wait3A_566 = tpu.memref_slice %arg3[%add3A_564, %dma_wait3A_565] : memref<1024x50xi32, #tpu.memory_space<hbm>> -> memref<4x50xi32, #tpu.memory_space<hbm>>
      %dma_wait3A_567 = arith.constant 0 : i32
      %dma_wait3A_568 = tpu.memref_slice %arg3[%add3A_564, %dma_wait3A_567] : memref<1024x50xi32, #tpu.memory_space<hbm>> -> memref<4x50xi32, #tpu.memory_space<hbm>>
      tpu.wait_dma2 semaphore(%arg13 : memref<!tpu.dma_semaphore, #tpu.memory_space<semaphore_mem>>) src(%dma_wait3A_568 : memref<4x50xi32, #tpu.memory_space<hbm>>) dst(%arg6 : memref<4x50xi32, #tpu.memory_space<vmem>>)
      %dma_start3A_569 = arith.constant 0 : i32
      %dma_start3A_570 = arith.constant 1 : i32
      %dma_start3A_571 = arith.constant 0 : i32
      %dma_start3A_572 = arith.constant 0 : i32
      %dma_start3A_573 = arith.constant 0 : i32
      %dma_start3A_574 = tpu.memref_slice %arg7[%dma_start3A_570, %dma_start3A_571, %dma_start3A_572, %dma_start3A_573] : memref<2x4x50x128xf32, #tpu.memory_space<vmem>> -> memref<1x1x50x128xf32, #tpu.memory_space<vmem>>
      %dma_start3A_575 = tpu.memref_squeeze %dma_start3A_574 : memref<1x1x50x128xf32, #tpu.memory_space<vmem>> -> memref<50x128xf32, #tpu.memory_space<vmem>>
      %dma_start3A_576 = arith.constant 0 : i32
      %dma_start3A_577 = tpu.memref_slice %arg6[%dma_start3A_569, %dma_start3A_576] : memref<4x50xi32, #tpu.memory_space<vmem>> -> memref<1x50xi32, #tpu.memory_space<vmem>>
      %dma_start3A_578 = tpu.memref_squeeze %dma_start3A_577 : memref<1x50xi32, #tpu.memory_space<vmem>> -> memref<50xi32, #tpu.memory_space<vmem>>
      %dma_start3A_579 = arith.constant 0 : i32
      %dma_start3A_580 = arith.constant 0 : i32
      %dma_start3A_581 = tpu.memref_slice %arg2[%dma_start3A_579, %dma_start3A_580] : memref<1000x128xf32, #tpu.memory_space<hbm>> -> memref<1000x128xf32, #tpu.memory_space<hbm>>
      tpu.enqueue_indirect_dma source(%dma_start3A_581 : memref<1000x128xf32, #tpu.memory_space<hbm>>) target(%dma_start3A_575 : memref<50x128xf32, #tpu.memory_space<vmem>>) offsets(%dma_start3A_578 : memref<50xi32, #tpu.memory_space<vmem>>) semaphore(%arg9 : memref<!tpu.dma_semaphore, #tpu.memory_space<semaphore_mem>>)
      %dma_start3A_582 = arith.constant 1 : i32
      %dma_start3A_583 = arith.constant 1 : i32
      %dma_start3A_584 = arith.constant 1 : i32
      %dma_start3A_585 = arith.constant 0 : i32
      %dma_start3A_586 = arith.constant 0 : i32
      %dma_start3A_587 = tpu.memref_slice %arg7[%dma_start3A_583, %dma_start3A_584, %dma_start3A_585, %dma_start3A_586] : memref<2x4x50x128xf32, #tpu.memory_space<vmem>> -> memref<1x1x50x128xf32, #tpu.memory_space<vmem>>
      %dma_start3A_588 = tpu.memref_squeeze %dma_start3A_587 : memref<1x1x50x128xf32, #tpu.memory_space<vmem>> -> memref<50x128xf32, #tpu.memory_space<vmem>>
      %dma_start3A_589 = arith.constant 0 : i32
      %dma_start3A_590 = tpu.memref_slice %arg6[%dma_start3A_582, %dma_start3A_589] : memref<4x50xi32, #tpu.memory_space<vmem>> -> memref<1x50xi32, #tpu.memory_space<vmem>>
      %dma_start3A_591 = tpu.memref_squeeze %dma_start3A_590 : memref<1x50xi32, #tpu.memory_space<vmem>> -> memref<50xi32, #tpu.memory_space<vmem>>
      %dma_start3A_592 = arith.constant 0 : i32
      %dma_start3A_593 = arith.constant 0 : i32
      %dma_start3A_594 = tpu.memref_slice %arg2[%dma_start3A_592, %dma_start3A_593] : memref<1000x128xf32, #tpu.memory_space<hbm>> -> memref<1000x128xf32, #tpu.memory_space<hbm>>
      tpu.enqueue_indirect_dma source(%dma_start3A_594 : memref<1000x128xf32, #tpu.memory_space<hbm>>) target(%dma_start3A_588 : memref<50x128xf32, #tpu.memory_space<vmem>>) offsets(%dma_start3A_591 : memref<50xi32, #tpu.memory_space<vmem>>) semaphore(%arg9 : memref<!tpu.dma_semaphore, #tpu.memory_space<semaphore_mem>>)
      %dma_start3A_595 = arith.constant 2 : i32
      %dma_start3A_596 = arith.constant 1 : i32
      %dma_start3A_597 = arith.constant 2 : i32
      %dma_start3A_598 = arith.constant 0 : i32
      %dma_start3A_599 = arith.constant 0 : i32
      %dma_start3A_600 = tpu.memref_slice %arg7[%dma_start3A_596, %dma_start3A_597, %dma_start3A_598, %dma_start3A_599] : memref<2x4x50x128xf32, #tpu.memory_space<vmem>> -> memref<1x1x50x128xf32, #tpu.memory_space<vmem>>
      %dma_start3A_601 = tpu.memref_squeeze %dma_start3A_600 : memref<1x1x50x128xf32, #tpu.memory_space<vmem>> -> memref<50x128xf32, #tpu.memory_space<vmem>>
      %dma_start3A_602 = arith.constant 0 : i32
      %dma_start3A_603 = tpu.memref_slice %arg6[%dma_start3A_595, %dma_start3A_602] : memref<4x50xi32, #tpu.memory_space<vmem>> -> memref<1x50xi32, #tpu.memory_space<vmem>>
      %dma_start3A_604 = tpu.memref_squeeze %dma_start3A_603 : memref<1x50xi32, #tpu.memory_space<vmem>> -> memref<50xi32, #tpu.memory_space<vmem>>
      %dma_start3A_605 = arith.constant 0 : i32
      %dma_start3A_606 = arith.constant 0 : i32
      %dma_start3A_607 = tpu.memref_slice %arg2[%dma_start3A_605, %dma_start3A_606] : memref<1000x128xf32, #tpu.memory_space<hbm>> -> memref<1000x128xf32, #tpu.memory_space<hbm>>
      tpu.enqueue_indirect_dma source(%dma_start3A_607 : memref<1000x128xf32, #tpu.memory_space<hbm>>) target(%dma_start3A_601 : memref<50x128xf32, #tpu.memory_space<vmem>>) offsets(%dma_start3A_604 : memref<50xi32, #tpu.memory_space<vmem>>) semaphore(%arg9 : memref<!tpu.dma_semaphore, #tpu.memory_space<semaphore_mem>>)
      %dma_start3A_608 = arith.constant 3 : i32
      %dma_start3A_609 = arith.constant 1 : i32
      %dma_start3A_610 = arith.constant 3 : i32
      %dma_start3A_611 = arith.constant 0 : i32
      %dma_start3A_612 = arith.constant 0 : i32
      %dma_start3A_613 = tpu.memref_slice %arg7[%dma_start3A_609, %dma_start3A_610, %dma_start3A_611, %dma_start3A_612] : memref<2x4x50x128xf32, #tpu.memory_space<vmem>> -> memref<1x1x50x128xf32, #tpu.memory_space<vmem>>
      %dma_start3A_614 = tpu.memref_squeeze %dma_start3A_613 : memref<1x1x50x128xf32, #tpu.memory_space<vmem>> -> memref<50x128xf32, #tpu.memory_space<vmem>>
      %dma_start3A_615 = arith.constant 0 : i32
      %dma_start3A_616 = tpu.memref_slice %arg6[%dma_start3A_608, %dma_start3A_615] : memref<4x50xi32, #tpu.memory_space<vmem>> -> memref<1x50xi32, #tpu.memory_space<vmem>>
      %dma_start3A_617 = tpu.memref_squeeze %dma_start3A_616 : memref<1x50xi32, #tpu.memory_space<vmem>> -> memref<50xi32, #tpu.memory_space<vmem>>
      %dma_start3A_618 = arith.constant 0 : i32
      %dma_start3A_619 = arith.constant 0 : i32
      %dma_start3A_620 = tpu.memref_slice %arg2[%dma_start3A_618, %dma_start3A_619] : memref<1000x128xf32, #tpu.memory_space<hbm>> -> memref<1000x128xf32, #tpu.memory_space<hbm>>
      tpu.enqueue_indirect_dma source(%dma_start3A_620 : memref<1000x128xf32, #tpu.memory_space<hbm>>) target(%dma_start3A_614 : memref<50x128xf32, #tpu.memory_space<vmem>>) offsets(%dma_start3A_617 : memref<50xi32, #tpu.memory_space<vmem>>) semaphore(%arg9 : memref<!tpu.dma_semaphore, #tpu.memory_space<semaphore_mem>>)
    }
    %scan3A_112 = arith.constant 3 : i32
    %dma_wait3A = arith.constant 0 : i32
    %dma_wait3A_113 = arith.constant 0 : i32
    %dma_wait3A_114 = arith.constant 0 : i32
    %dma_wait3A_115 = arith.constant 0 : i32
    %dma_wait3A_116 = arith.constant 0 : i32
    %dma_wait3A_117 = tpu.memref_slice %arg7[%dma_wait3A_113, %dma_wait3A_114, %dma_wait3A_115, %dma_wait3A_116] : memref<2x4x50x128xf32, #tpu.memory_space<vmem>> -> memref<1x1x50x128xf32, #tpu.memory_space<vmem>>
    %dma_wait3A_118 = tpu.memref_squeeze %dma_wait3A_117 : memref<1x1x50x128xf32, #tpu.memory_space<vmem>> -> memref<50x128xf32, #tpu.memory_space<vmem>>
    %dma_wait3A_119 = arith.constant 0 : i32
    %dma_wait3A_120 = tpu.memref_slice %arg5[%dma_wait3A, %dma_wait3A_119] : memref<4x50xi32, #tpu.memory_space<vmem>> -> memref<1x50xi32, #tpu.memory_space<vmem>>
    %dma_wait3A_121 = tpu.memref_squeeze %dma_wait3A_120 : memref<1x50xi32, #tpu.memory_space<vmem>> -> memref<50xi32, #tpu.memory_space<vmem>>
    %dma_wait3A_122 = arith.constant 0 : i32
    %dma_wait3A_123 = arith.constant 0 : i32
    %dma_wait3A_124 = tpu.memref_slice %arg2[%dma_wait3A_122, %dma_wait3A_123] : memref<1000x128xf32, #tpu.memory_space<hbm>> -> memref<1000x128xf32, #tpu.memory_space<hbm>>
    tpu.wait_indirect_dma semaphore(%arg8 : memref<!tpu.dma_semaphore, #tpu.memory_space<semaphore_mem>>) src(%dma_wait3A_124 : memref<1000x128xf32, #tpu.memory_space<hbm>>) dst(%dma_wait3A_118 : memref<50x128xf32, #tpu.memory_space<vmem>>)
    %dma_wait3A_125 = arith.constant 1 : i32
    %dma_wait3A_126 = arith.constant 0 : i32
    %dma_wait3A_127 = arith.constant 1 : i32
    %dma_wait3A_128 = arith.constant 0 : i32
    %dma_wait3A_129 = arith.constant 0 : i32
    %dma_wait3A_130 = tpu.memref_slice %arg7[%dma_wait3A_126, %dma_wait3A_127, %dma_wait3A_128, %dma_wait3A_129] : memref<2x4x50x128xf32, #tpu.memory_space<vmem>> -> memref<1x1x50x128xf32, #tpu.memory_space<vmem>>
    %dma_wait3A_131 = tpu.memref_squeeze %dma_wait3A_130 : memref<1x1x50x128xf32, #tpu.memory_space<vmem>> -> memref<50x128xf32, #tpu.memory_space<vmem>>
    %dma_wait3A_132 = arith.constant 0 : i32
    %dma_wait3A_133 = tpu.memref_slice %arg5[%dma_wait3A_125, %dma_wait3A_132] : memref<4x50xi32, #tpu.memory_space<vmem>> -> memref<1x50xi32, #tpu.memory_space<vmem>>
    %dma_wait3A_134 = tpu.memref_squeeze %dma_wait3A_133 : memref<1x50xi32, #tpu.memory_space<vmem>> -> memref<50xi32, #tpu.memory_space<vmem>>
    %dma_wait3A_135 = arith.constant 0 : i32
    %dma_wait3A_136 = arith.constant 0 : i32
    %dma_wait3A_137 = tpu.memref_slice %arg2[%dma_wait3A_135, %dma_wait3A_136] : memref<1000x128xf32, #tpu.memory_space<hbm>> -> memref<1000x128xf32, #tpu.memory_space<hbm>>
    tpu.wait_indirect_dma semaphore(%arg8 : memref<!tpu.dma_semaphore, #tpu.memory_space<semaphore_mem>>) src(%dma_wait3A_137 : memref<1000x128xf32, #tpu.memory_space<hbm>>) dst(%dma_wait3A_131 : memref<50x128xf32, #tpu.memory_space<vmem>>)
    %dma_wait3A_138 = arith.constant 2 : i32
    %dma_wait3A_139 = arith.constant 0 : i32
    %dma_wait3A_140 = arith.constant 2 : i32
    %dma_wait3A_141 = arith.constant 0 : i32
    %dma_wait3A_142 = arith.constant 0 : i32
    %dma_wait3A_143 = tpu.memref_slice %arg7[%dma_wait3A_139, %dma_wait3A_140, %dma_wait3A_141, %dma_wait3A_142] : memref<2x4x50x128xf32, #tpu.memory_space<vmem>> -> memref<1x1x50x128xf32, #tpu.memory_space<vmem>>
    %dma_wait3A_144 = tpu.memref_squeeze %dma_wait3A_143 : memref<1x1x50x128xf32, #tpu.memory_space<vmem>> -> memref<50x128xf32, #tpu.memory_space<vmem>>
    %dma_wait3A_145 = arith.constant 0 : i32
    %dma_wait3A_146 = tpu.memref_slice %arg5[%dma_wait3A_138, %dma_wait3A_145] : memref<4x50xi32, #tpu.memory_space<vmem>> -> memref<1x50xi32, #tpu.memory_space<vmem>>
    %dma_wait3A_147 = tpu.memref_squeeze %dma_wait3A_146 : memref<1x50xi32, #tpu.memory_space<vmem>> -> memref<50xi32, #tpu.memory_space<vmem>>
    %dma_wait3A_148 = arith.constant 0 : i32
    %dma_wait3A_149 = arith.constant 0 : i32
    %dma_wait3A_150 = tpu.memref_slice %arg2[%dma_wait3A_148, %dma_wait3A_149] : memref<1000x128xf32, #tpu.memory_space<hbm>> -> memref<1000x128xf32, #tpu.memory_space<hbm>>
    tpu.wait_indirect_dma semaphore(%arg8 : memref<!tpu.dma_semaphore, #tpu.memory_space<semaphore_mem>>) src(%dma_wait3A_150 : memref<1000x128xf32, #tpu.memory_space<hbm>>) dst(%dma_wait3A_144 : memref<50x128xf32, #tpu.memory_space<vmem>>)
    %dma_wait3A_151 = arith.constant 3 : i32
    %dma_wait3A_152 = arith.constant 0 : i32
    %dma_wait3A_153 = arith.constant 3 : i32
    %dma_wait3A_154 = arith.constant 0 : i32
    %dma_wait3A_155 = arith.constant 0 : i32
    %dma_wait3A_156 = tpu.memref_slice %arg7[%dma_wait3A_152, %dma_wait3A_153, %dma_wait3A_154, %dma_wait3A_155] : memref<2x4x50x128xf32, #tpu.memory_space<vmem>> -> memref<1x1x50x128xf32, #tpu.memory_space<vmem>>
    %dma_wait3A_157 = tpu.memref_squeeze %dma_wait3A_156 : memref<1x1x50x128xf32, #tpu.memory_space<vmem>> -> memref<50x128xf32, #tpu.memory_space<vmem>>
    %dma_wait3A_158 = arith.constant 0 : i32
    %dma_wait3A_159 = tpu.memref_slice %arg5[%dma_wait3A_151, %dma_wait3A_158] : memref<4x50xi32, #tpu.memory_space<vmem>> -> memref<1x50xi32, #tpu.memory_space<vmem>>
    %dma_wait3A_160 = tpu.memref_squeeze %dma_wait3A_159 : memref<1x50xi32, #tpu.memory_space<vmem>> -> memref<50xi32, #tpu.memory_space<vmem>>
    %dma_wait3A_161 = arith.constant 0 : i32
    %dma_wait3A_162 = arith.constant 0 : i32
    %dma_wait3A_163 = tpu.memref_slice %arg2[%dma_wait3A_161, %dma_wait3A_162] : memref<1000x128xf32, #tpu.memory_space<hbm>> -> memref<1000x128xf32, #tpu.memory_space<hbm>>
    tpu.wait_indirect_dma semaphore(%arg8 : memref<!tpu.dma_semaphore, #tpu.memory_space<semaphore_mem>>) src(%dma_wait3A_163 : memref<1000x128xf32, #tpu.memory_space<hbm>>) dst(%dma_wait3A_157 : memref<50x128xf32, #tpu.memory_space<vmem>>)
    %add3A_164 = arith.constant 24 : i32
    %add3A_165 = arith.addi %mul3A_2, %add3A_164 : i32
    %dma_start3A_166 = arith.constant 0 : i32
    %dma_start3A_167 = arith.constant 0 : i32
    %dma_start3A_168 = arith.constant 0 : i32
    %dma_start3A_169 = arith.constant 0 : i32
    %dma_start3A_170 = tpu.memref_slice %arg7[%dma_start3A_166, %dma_start3A_167, %dma_start3A_168, %dma_start3A_169] : memref<2x4x50x128xf32, #tpu.memory_space<vmem>> -> memref<1x4x50x128xf32, #tpu.memory_space<vmem>>
    %dma_start3A_171 = tpu.memref_squeeze %dma_start3A_170 : memref<1x4x50x128xf32, #tpu.memory_space<vmem>> -> memref<4x50x128xf32, #tpu.memory_space<vmem>>
    %dma_start3A_172 = arith.constant 0 : i32
    %dma_start3A_173 = arith.constant 0 : i32
    %dma_start3A_174 = tpu.memref_slice %arg4[%add3A_165, %dma_start3A_172, %dma_start3A_173] : memref<1024x50x128xf32, #tpu.memory_space<hbm>> -> memref<4x50x128xf32, #tpu.memory_space<hbm>>
    %dma_start3A_175 = arith.constant 0 : i32
    %dma_start3A_176 = arith.constant 0 : i32
    %dma_start3A_177 = tpu.memref_slice %arg4[%add3A_165, %dma_start3A_175, %dma_start3A_176] : memref<1024x50x128xf32, #tpu.memory_space<hbm>> -> memref<4x50x128xf32, #tpu.memory_space<hbm>>
    %dma_start3A_178 = arith.constant 0 : i32
    %dma_start3A_179 = arith.constant 0 : i32
    %dma_start3A_180 = arith.constant 0 : i32
    %dma_start3A_181 = tpu.memref_slice %arg7[%dma_start3A_166, %dma_start3A_178, %dma_start3A_179, %dma_start3A_180] : memref<2x4x50x128xf32, #tpu.memory_space<vmem>> -> memref<1x4x50x128xf32, #tpu.memory_space<vmem>>
    %dma_start3A_182 = tpu.memref_squeeze %dma_start3A_181 : memref<1x4x50x128xf32, #tpu.memory_space<vmem>> -> memref<4x50x128xf32, #tpu.memory_space<vmem>>
    tpu.enqueue_dma source(%dma_start3A_182 : memref<4x50x128xf32, #tpu.memory_space<vmem>>) target(%dma_start3A_177 : memref<4x50x128xf32, #tpu.memory_space<hbm>>) target_semaphore(%arg10 : memref<!tpu.dma_semaphore, #tpu.memory_space<semaphore_mem>>)
    %dma_wait3A_183 = arith.constant 0 : i32
    %dma_wait3A_184 = arith.constant 1 : i32
    %dma_wait3A_185 = arith.constant 0 : i32
    %dma_wait3A_186 = arith.constant 0 : i32
    %dma_wait3A_187 = arith.constant 0 : i32
    %dma_wait3A_188 = tpu.memref_slice %arg7[%dma_wait3A_184, %dma_wait3A_185, %dma_wait3A_186, %dma_wait3A_187] : memref<2x4x50x128xf32, #tpu.memory_space<vmem>> -> memref<1x1x50x128xf32, #tpu.memory_space<vmem>>
    %dma_wait3A_189 = tpu.memref_squeeze %dma_wait3A_188 : memref<1x1x50x128xf32, #tpu.memory_space<vmem>> -> memref<50x128xf32, #tpu.memory_space<vmem>>
    %dma_wait3A_190 = arith.constant 0 : i32
    %dma_wait3A_191 = tpu.memref_slice %arg6[%dma_wait3A_183, %dma_wait3A_190] : memref<4x50xi32, #tpu.memory_space<vmem>> -> memref<1x50xi32, #tpu.memory_space<vmem>>
    %dma_wait3A_192 = tpu.memref_squeeze %dma_wait3A_191 : memref<1x50xi32, #tpu.memory_space<vmem>> -> memref<50xi32, #tpu.memory_space<vmem>>
    %dma_wait3A_193 = arith.constant 0 : i32
    %dma_wait3A_194 = arith.constant 0 : i32
    %dma_wait3A_195 = tpu.memref_slice %arg2[%dma_wait3A_193, %dma_wait3A_194] : memref<1000x128xf32, #tpu.memory_space<hbm>> -> memref<1000x128xf32, #tpu.memory_space<hbm>>
    tpu.wait_indirect_dma semaphore(%arg9 : memref<!tpu.dma_semaphore, #tpu.memory_space<semaphore_mem>>) src(%dma_wait3A_195 : memref<1000x128xf32, #tpu.memory_space<hbm>>) dst(%dma_wait3A_189 : memref<50x128xf32, #tpu.memory_space<vmem>>)
    %dma_wait3A_196 = arith.constant 1 : i32
    %dma_wait3A_197 = arith.constant 1 : i32
    %dma_wait3A_198 = arith.constant 1 : i32
    %dma_wait3A_199 = arith.constant 0 : i32
    %dma_wait3A_200 = arith.constant 0 : i32
    %dma_wait3A_201 = tpu.memref_slice %arg7[%dma_wait3A_197, %dma_wait3A_198, %dma_wait3A_199, %dma_wait3A_200] : memref<2x4x50x128xf32, #tpu.memory_space<vmem>> -> memref<1x1x50x128xf32, #tpu.memory_space<vmem>>
    %dma_wait3A_202 = tpu.memref_squeeze %dma_wait3A_201 : memref<1x1x50x128xf32, #tpu.memory_space<vmem>> -> memref<50x128xf32, #tpu.memory_space<vmem>>
    %dma_wait3A_203 = arith.constant 0 : i32
    %dma_wait3A_204 = tpu.memref_slice %arg6[%dma_wait3A_196, %dma_wait3A_203] : memref<4x50xi32, #tpu.memory_space<vmem>> -> memref<1x50xi32, #tpu.memory_space<vmem>>
    %dma_wait3A_205 = tpu.memref_squeeze %dma_wait3A_204 : memref<1x50xi32, #tpu.memory_space<vmem>> -> memref<50xi32, #tpu.memory_space<vmem>>
    %dma_wait3A_206 = arith.constant 0 : i32
    %dma_wait3A_207 = arith.constant 0 : i32
    %dma_wait3A_208 = tpu.memref_slice %arg2[%dma_wait3A_206, %dma_wait3A_207] : memref<1000x128xf32, #tpu.memory_space<hbm>> -> memref<1000x128xf32, #tpu.memory_space<hbm>>
    tpu.wait_indirect_dma semaphore(%arg9 : memref<!tpu.dma_semaphore, #tpu.memory_space<semaphore_mem>>) src(%dma_wait3A_208 : memref<1000x128xf32, #tpu.memory_space<hbm>>) dst(%dma_wait3A_202 : memref<50x128xf32, #tpu.memory_space<vmem>>)
    %dma_wait3A_209 = arith.constant 2 : i32
    %dma_wait3A_210 = arith.constant 1 : i32
    %dma_wait3A_211 = arith.constant 2 : i32
    %dma_wait3A_212 = arith.constant 0 : i32
    %dma_wait3A_213 = arith.constant 0 : i32
    %dma_wait3A_214 = tpu.memref_slice %arg7[%dma_wait3A_210, %dma_wait3A_211, %dma_wait3A_212, %dma_wait3A_213] : memref<2x4x50x128xf32, #tpu.memory_space<vmem>> -> memref<1x1x50x128xf32, #tpu.memory_space<vmem>>
    %dma_wait3A_215 = tpu.memref_squeeze %dma_wait3A_214 : memref<1x1x50x128xf32, #tpu.memory_space<vmem>> -> memref<50x128xf32, #tpu.memory_space<vmem>>
    %dma_wait3A_216 = arith.constant 0 : i32
    %dma_wait3A_217 = tpu.memref_slice %arg6[%dma_wait3A_209, %dma_wait3A_216] : memref<4x50xi32, #tpu.memory_space<vmem>> -> memref<1x50xi32, #tpu.memory_space<vmem>>
    %dma_wait3A_218 = tpu.memref_squeeze %dma_wait3A_217 : memref<1x50xi32, #tpu.memory_space<vmem>> -> memref<50xi32, #tpu.memory_space<vmem>>
    %dma_wait3A_219 = arith.constant 0 : i32
    %dma_wait3A_220 = arith.constant 0 : i32
    %dma_wait3A_221 = tpu.memref_slice %arg2[%dma_wait3A_219, %dma_wait3A_220] : memref<1000x128xf32, #tpu.memory_space<hbm>> -> memref<1000x128xf32, #tpu.memory_space<hbm>>
    tpu.wait_indirect_dma semaphore(%arg9 : memref<!tpu.dma_semaphore, #tpu.memory_space<semaphore_mem>>) src(%dma_wait3A_221 : memref<1000x128xf32, #tpu.memory_space<hbm>>) dst(%dma_wait3A_215 : memref<50x128xf32, #tpu.memory_space<vmem>>)
    %dma_wait3A_222 = arith.constant 3 : i32
    %dma_wait3A_223 = arith.constant 1 : i32
    %dma_wait3A_224 = arith.constant 3 : i32
    %dma_wait3A_225 = arith.constant 0 : i32
    %dma_wait3A_226 = arith.constant 0 : i32
    %dma_wait3A_227 = tpu.memref_slice %arg7[%dma_wait3A_223, %dma_wait3A_224, %dma_wait3A_225, %dma_wait3A_226] : memref<2x4x50x128xf32, #tpu.memory_space<vmem>> -> memref<1x1x50x128xf32, #tpu.memory_space<vmem>>
    %dma_wait3A_228 = tpu.memref_squeeze %dma_wait3A_227 : memref<1x1x50x128xf32, #tpu.memory_space<vmem>> -> memref<50x128xf32, #tpu.memory_space<vmem>>
    %dma_wait3A_229 = arith.constant 0 : i32
    %dma_wait3A_230 = tpu.memref_slice %arg6[%dma_wait3A_222, %dma_wait3A_229] : memref<4x50xi32, #tpu.memory_space<vmem>> -> memref<1x50xi32, #tpu.memory_space<vmem>>
    %dma_wait3A_231 = tpu.memref_squeeze %dma_wait3A_230 : memref<1x50xi32, #tpu.memory_space<vmem>> -> memref<50xi32, #tpu.memory_space<vmem>>
    %dma_wait3A_232 = arith.constant 0 : i32
    %dma_wait3A_233 = arith.constant 0 : i32
    %dma_wait3A_234 = tpu.memref_slice %arg2[%dma_wait3A_232, %dma_wait3A_233] : memref<1000x128xf32, #tpu.memory_space<hbm>> -> memref<1000x128xf32, #tpu.memory_space<hbm>>
    tpu.wait_indirect_dma semaphore(%arg9 : memref<!tpu.dma_semaphore, #tpu.memory_space<semaphore_mem>>) src(%dma_wait3A_234 : memref<1000x128xf32, #tpu.memory_space<hbm>>) dst(%dma_wait3A_228 : memref<50x128xf32, #tpu.memory_space<vmem>>)
    %add3A_235 = arith.constant 28 : i32
    %add3A_236 = arith.addi %mul3A_2, %add3A_235 : i32
    %dma_start3A_237 = arith.constant 1 : i32
    %dma_start3A_238 = arith.constant 0 : i32
    %dma_start3A_239 = arith.constant 0 : i32
    %dma_start3A_240 = arith.constant 0 : i32
    %dma_start3A_241 = tpu.memref_slice %arg7[%dma_start3A_237, %dma_start3A_238, %dma_start3A_239, %dma_start3A_240] : memref<2x4x50x128xf32, #tpu.memory_space<vmem>> -> memref<1x4x50x128xf32, #tpu.memory_space<vmem>>
    %dma_start3A_242 = tpu.memref_squeeze %dma_start3A_241 : memref<1x4x50x128xf32, #tpu.memory_space<vmem>> -> memref<4x50x128xf32, #tpu.memory_space<vmem>>
    %dma_start3A_243 = arith.constant 0 : i32
    %dma_start3A_244 = arith.constant 0 : i32
    %dma_start3A_245 = tpu.memref_slice %arg4[%add3A_236, %dma_start3A_243, %dma_start3A_244] : memref<1024x50x128xf32, #tpu.memory_space<hbm>> -> memref<4x50x128xf32, #tpu.memory_space<hbm>>
    %dma_start3A_246 = arith.constant 0 : i32
    %dma_start3A_247 = arith.constant 0 : i32
    %dma_start3A_248 = tpu.memref_slice %arg4[%add3A_236, %dma_start3A_246, %dma_start3A_247] : memref<1024x50x128xf32, #tpu.memory_space<hbm>> -> memref<4x50x128xf32, #tpu.memory_space<hbm>>
    %dma_start3A_249 = arith.constant 0 : i32
    %dma_start3A_250 = arith.constant 0 : i32
    %dma_start3A_251 = arith.constant 0 : i32
    %dma_start3A_252 = tpu.memref_slice %arg7[%dma_start3A_237, %dma_start3A_249, %dma_start3A_250, %dma_start3A_251] : memref<2x4x50x128xf32, #tpu.memory_space<vmem>> -> memref<1x4x50x128xf32, #tpu.memory_space<vmem>>
    %dma_start3A_253 = tpu.memref_squeeze %dma_start3A_252 : memref<1x4x50x128xf32, #tpu.memory_space<vmem>> -> memref<4x50x128xf32, #tpu.memory_space<vmem>>
    tpu.enqueue_dma source(%dma_start3A_253 : memref<4x50x128xf32, #tpu.memory_space<vmem>>) target(%dma_start3A_248 : memref<4x50x128xf32, #tpu.memory_space<hbm>>) target_semaphore(%arg11 : memref<!tpu.dma_semaphore, #tpu.memory_space<semaphore_mem>>)
    %add3A_254 = arith.constant 24 : i32
    %add3A_255 = arith.addi %mul3A_2, %add3A_254 : i32
    %dma_wait3A_256 = arith.constant 0 : i32
    %dma_wait3A_257 = arith.constant 0 : i32
    %dma_wait3A_258 = arith.constant 0 : i32
    %dma_wait3A_259 = arith.constant 0 : i32
    %dma_wait3A_260 = tpu.memref_slice %arg7[%dma_wait3A_256, %dma_wait3A_257, %dma_wait3A_258, %dma_wait3A_259] : memref<2x4x50x128xf32, #tpu.memory_space<vmem>> -> memref<1x4x50x128xf32, #tpu.memory_space<vmem>>
    %dma_wait3A_261 = tpu.memref_squeeze %dma_wait3A_260 : memref<1x4x50x128xf32, #tpu.memory_space<vmem>> -> memref<4x50x128xf32, #tpu.memory_space<vmem>>
    %dma_wait3A_262 = arith.constant 0 : i32
    %dma_wait3A_263 = arith.constant 0 : i32
    %dma_wait3A_264 = tpu.memref_slice %arg4[%add3A_255, %dma_wait3A_262, %dma_wait3A_263] : memref<1024x50x128xf32, #tpu.memory_space<hbm>> -> memref<4x50x128xf32, #tpu.memory_space<hbm>>
    %dma_wait3A_265 = arith.constant 0 : i32
    %dma_wait3A_266 = arith.constant 0 : i32
    %dma_wait3A_267 = tpu.memref_slice %arg4[%add3A_255, %dma_wait3A_265, %dma_wait3A_266] : memref<1024x50x128xf32, #tpu.memory_space<hbm>> -> memref<4x50x128xf32, #tpu.memory_space<hbm>>
    %dma_wait3A_268 = arith.constant 0 : i32
    %dma_wait3A_269 = arith.constant 0 : i32
    %dma_wait3A_270 = arith.constant 0 : i32
    %dma_wait3A_271 = tpu.memref_slice %arg7[%dma_wait3A_256, %dma_wait3A_268, %dma_wait3A_269, %dma_wait3A_270] : memref<2x4x50x128xf32, #tpu.memory_space<vmem>> -> memref<1x4x50x128xf32, #tpu.memory_space<vmem>>
    %dma_wait3A_272 = tpu.memref_squeeze %dma_wait3A_271 : memref<1x4x50x128xf32, #tpu.memory_space<vmem>> -> memref<4x50x128xf32, #tpu.memory_space<vmem>>
    tpu.wait_dma2 semaphore(%arg10 : memref<!tpu.dma_semaphore, #tpu.memory_space<semaphore_mem>>) src(%dma_wait3A_272 : memref<4x50x128xf32, #tpu.memory_space<vmem>>) dst(%dma_wait3A_267 : memref<4x50x128xf32, #tpu.memory_space<hbm>>)
    %add3A_273 = arith.constant 28 : i32
    %add3A_274 = arith.addi %mul3A_2, %add3A_273 : i32
    %dma_wait3A_275 = arith.constant 1 : i32
    %dma_wait3A_276 = arith.constant 0 : i32
    %dma_wait3A_277 = arith.constant 0 : i32
    %dma_wait3A_278 = arith.constant 0 : i32
    %dma_wait3A_279 = tpu.memref_slice %arg7[%dma_wait3A_275, %dma_wait3A_276, %dma_wait3A_277, %dma_wait3A_278] : memref<2x4x50x128xf32, #tpu.memory_space<vmem>> -> memref<1x4x50x128xf32, #tpu.memory_space<vmem>>
    %dma_wait3A_280 = tpu.memref_squeeze %dma_wait3A_279 : memref<1x4x50x128xf32, #tpu.memory_space<vmem>> -> memref<4x50x128xf32, #tpu.memory_space<vmem>>
    %dma_wait3A_281 = arith.constant 0 : i32
    %dma_wait3A_282 = arith.constant 0 : i32
    %dma_wait3A_283 = tpu.memref_slice %arg4[%add3A_274, %dma_wait3A_281, %dma_wait3A_282] : memref<1024x50x128xf32, #tpu.memory_space<hbm>> -> memref<4x50x128xf32, #tpu.memory_space<hbm>>
    %dma_wait3A_284 = arith.constant 0 : i32
    %dma_wait3A_285 = arith.constant 0 : i32
    %dma_wait3A_286 = tpu.memref_slice %arg4[%add3A_274, %dma_wait3A_284, %dma_wait3A_285] : memref<1024x50x128xf32, #tpu.memory_space<hbm>> -> memref<4x50x128xf32, #tpu.memory_space<hbm>>
    %dma_wait3A_287 = arith.constant 0 : i32
    %dma_wait3A_288 = arith.constant 0 : i32
    %dma_wait3A_289 = arith.constant 0 : i32
    %dma_wait3A_290 = tpu.memref_slice %arg7[%dma_wait3A_275, %dma_wait3A_287, %dma_wait3A_288, %dma_wait3A_289] : memref<2x4x50x128xf32, #tpu.memory_space<vmem>> -> memref<1x4x50x128xf32, #tpu.memory_space<vmem>>
    %dma_wait3A_291 = tpu.memref_squeeze %dma_wait3A_290 : memref<1x4x50x128xf32, #tpu.memory_space<vmem>> -> memref<4x50x128xf32, #tpu.memory_space<vmem>>
    tpu.wait_dma2 semaphore(%arg11 : memref<!tpu.dma_semaphore, #tpu.memory_space<semaphore_mem>>) src(%dma_wait3A_291 : memref<4x50x128xf32, #tpu.memory_space<vmem>>) dst(%dma_wait3A_286 : memref<4x50x128xf32, #tpu.memory_space<hbm>>)
    return
  }
}

module attributes {stable_mosaic.version = 14 : i64} {
  func.func @_mm_body(%arg0: i32, %arg1: memref<1000x128xf32, #tpu.memory_space<vmem>>, %arg2: memref<1000x1xf32, #tpu.memory_space<vmem>>, %arg3: memref<1024x50x128xf32, #tpu.memory_space<vmem>>, %arg4: memref<2x1000x1024xf32, #tpu.memory_space<vmem>>) attributes {dimension_semantics = [#tpu.dimension_semantics<arbitrary>], iteration_bounds = array<i64: 25>, scalar_prefetch = 0 : i64, scratch_operands = 0 : i64, tpu.core_type = #tpu.core_type<tc>, window_params = [{pipeline_mode = #tpu.pipeline_mode<synchronous>, transform_indices = @transform_0, window_bounds = array<i64: 1000, 128>}, {pipeline_mode = #tpu.pipeline_mode<synchronous>, transform_indices = @transform_1, window_bounds = array<i64: 1000, 1>}, {pipeline_mode = #tpu.pipeline_mode<synchronous>, transform_indices = @transform_2, window_bounds = array<i64: 1024, 50, 128>}, {transform_indices = @transform_3, window_bounds = array<i64: 2, 1000, 1024>}]} {
    %mul3A = arith.constant 2 : i32
    %mul3A_0 = arith.muli %arg0, %mul3A : i32
    %add3A = arith.constant 0 : i32
    %add3A_1 = arith.addi %mul3A_0, %add3A : i32
    %get3A = arith.constant 0 : index
    %get3A_2 = arith.index_cast %add3A_1 : i32 to index
    %get3A_3 = arith.constant 0 : index
    %get3A_4 = vector.load %arg3[%get3A, %get3A_2, %get3A_3] : memref<1024x50x128xf32, #tpu.memory_space<vmem>>, vector<1024x1x128xf32>
    %get3A_5 = vector.shape_cast %get3A_4 : vector<1024x1x128xf32> to vector<1024x128xf32>
    %get3A_6 = arith.constant 0 : index
    %get3A_7 = arith.constant 0 : index
    %get3A_8 = vector.load %arg1[%get3A_6, %get3A_7] : memref<1000x128xf32, #tpu.memory_space<vmem>>, vector<1000x128xf32>
    %dot_general3A = arith.constant dense<0.000000e+00> : vector<1000x1024xf32>
    %dot_general3A_9 = tpu.matmul %get3A_8, %get3A_5, %dot_general3A {dimension_numbers = #tpu.dot_dimension_numbers<[1], [1], [0], [0], [0, 0, 1, 0], [], []>, transpose_lhs_hint = false} : vector<1000x128xf32>, vector<1024x128xf32>, vector<1000x1024xf32> -> vector<1000x1024xf32>
    %get3A_10 = arith.constant 0 : index
    %get3A_11 = arith.constant 0 : index
    %get3A_12 = vector.load %arg2[%get3A_10, %get3A_11] : memref<1000x1xf32, #tpu.memory_space<vmem>>, vector<1000x1xf32>
    %add3A_13 = vector.broadcast %get3A_12 : vector<1000x1xf32> to vector<1000x1024xf32>
    %add3A_14 = arith.addf %dot_general3A_9, %add3A_13 : vector<1000x1024xf32>
    %swap3A = arith.constant 0 : index
    %swap3A_15 = arith.constant 0 : index
    %swap3A_16 = arith.constant 0 : index
    %swap3A_17 = vector.load %arg4[%swap3A, %swap3A_15, %swap3A_16] : memref<2x1000x1024xf32, #tpu.memory_space<vmem>>, vector<1x1000x1024xf32>
    %swap3A_18 = vector.shape_cast %swap3A_17 : vector<1x1000x1024xf32> to vector<1000x1024xf32>
    %swap3A_19 = vector.shape_cast %add3A_14 : vector<1000x1024xf32> to vector<1x1000x1024xf32>
    tpu.vector_store %arg4[%swap3A, %swap3A_15, %swap3A_16], %swap3A_19 {strides = array<i32>} : memref<2x1000x1024xf32, #tpu.memory_space<vmem>>, vector<1x1000x1024xf32>,
    %mul3A_20 = arith.constant 2 : i32
    %mul3A_21 = arith.muli %arg0, %mul3A_20 : i32
    %add3A_22 = arith.constant 1 : i32
    %add3A_23 = arith.addi %mul3A_21, %add3A_22 : i32
    %get3A_24 = arith.constant 0 : index
    %get3A_25 = arith.index_cast %add3A_23 : i32 to index
    %get3A_26 = arith.constant 0 : index
    %get3A_27 = vector.load %arg3[%get3A_24, %get3A_25, %get3A_26] : memref<1024x50x128xf32, #tpu.memory_space<vmem>>, vector<1024x1x128xf32>
    %get3A_28 = vector.shape_cast %get3A_27 : vector<1024x1x128xf32> to vector<1024x128xf32>
    %get3A_29 = arith.constant 0 : index
    %get3A_30 = arith.constant 0 : index
    %get3A_31 = vector.load %arg1[%get3A_29, %get3A_30] : memref<1000x128xf32, #tpu.memory_space<vmem>>, vector<1000x128xf32>
    %dot_general3A_32 = arith.constant dense<0.000000e+00> : vector<1000x1024xf32>
    %dot_general3A_33 = tpu.matmul %get3A_31, %get3A_28, %dot_general3A_32 {dimension_numbers = #tpu.dot_dimension_numbers<[1], [1], [0], [0], [0, 0, 1, 0], [], []>, transpose_lhs_hint = false} : vector<1000x128xf32>, vector<1024x128xf32>, vector<1000x1024xf32> -> vector<1000x1024xf32>
    %get3A_34 = arith.constant 0 : index
    %get3A_35 = arith.constant 0 : index
    %get3A_36 = vector.load %arg2[%get3A_34, %get3A_35] : memref<1000x1xf32, #tpu.memory_space<vmem>>, vector<1000x1xf32>
    %add3A_37 = vector.broadcast %get3A_36 : vector<1000x1xf32> to vector<1000x1024xf32>
    %add3A_38 = arith.addf %dot_general3A_33, %add3A_37 : vector<1000x1024xf32>
    %swap3A_39 = arith.constant 1 : index
    %swap3A_40 = arith.constant 0 : index
    %swap3A_41 = arith.constant 0 : index
    %swap3A_42 = vector.load %arg4[%swap3A_39, %swap3A_40, %swap3A_41] : memref<2x1000x1024xf32, #tpu.memory_space<vmem>>, vector<1x1000x1024xf32>
    %swap3A_43 = vector.shape_cast %swap3A_42 : vector<1x1000x1024xf32> to vector<1000x1024xf32>
    %swap3A_44 = vector.shape_cast %add3A_38 : vector<1000x1024xf32> to vector<1x1000x1024xf32>
    tpu.vector_store %arg4[%swap3A_39, %swap3A_40, %swap3A_41], %swap3A_44 {strides = array<i32>} : memref<2x1000x1024xf32, #tpu.memory_space<vmem>>, vector<1x1000x1024xf32>,
    return
  }
  func.func @transform_0(%arg0: i32) -> (i32, i32) {
    %c0_i32 = arith.constant 0 : i32
    %c0_i32_0 = arith.constant 0 : i32
    %c0_i32_1 = arith.constant 0 : i32
    return %c0_i32, %c0_i32_0 : i32, i32
  }
  func.func @transform_1(%arg0: i32) -> (i32, i32) {
    %c0_i32 = arith.constant 0 : i32
    %c0_i32_0 = arith.constant 0 : i32
    %c0_i32_1 = arith.constant 0 : i32
    return %c0_i32, %c0_i32_0 : i32, i32
  }
  func.func @transform_2(%arg0: i32) -> (i32, i32, i32) {
    %c0_i32 = arith.constant 0 : i32
    %c0_i32_0 = arith.constant 0 : i32
    %c0_i32_1 = arith.constant 0 : i32
    %c0_i32_2 = arith.constant 0 : i32
    return %c0_i32, %c0_i32_0, %c0_i32_1 : i32, i32, i32
  }
  func.func @transform_3(%arg0: i32) -> (i32, i32, i32) {
    %c0_i32 = arith.constant 0 : i32
    %c0_i32_0 = arith.constant 0 : i32
    %c0_i32_1 = arith.constant 0 : i32
    return %arg0, %c0_i32, %c0_i32_0 : i32, i32, i32
  }
}

</mosaic_0001>

<sc_bundles>
// kernel: kernel.4.cloned.1.call-start
scs
__scs_entry_jumppad:
0x0: {  	(pc) =	sbr.rel $0x88, $3  }
0x1: {  	(tag) =	ssettag $0x0;
	lr =	simm.s32 $0x1  }
0x2: {  	[smem:$0x3F9D] =	sst lr;
	_ =	strace $0xD0000000  }
0x3: {  	_ = 	snop  }
0x4: {  	_ = 	snop  }
0x5: {  	_ = 	snop  }
0x6: {  	_ = 	snop  }
0x7: {  	_ = 	snop  }
__scs_overlays_trampoline_lowered:
0x8: {  	[smem:$0x3FAC] =	sst s0  }
0x9: {  	[smem:$0x3FAD] =	sst s1  }
0xa: {  	[smem:$0x3FAE] =	sst s2  }
0xb: {  	[smem:$0x3FAF] =	sst s3  }
0xc: {  	[smem:$0x3FB0] =	sst s4  }
0xd: {  	[smem:$0x3FB1] =	sst s5  }
0xe: {  	[smem:$0x3FB2] =	sst s6  }
0xf: {  	[smem:$0x3FB3] =	sst s7  }
0x10: {  	[smem:$0x3FB4] =	sst s8  }
0x11: {  	[smem:$0x3FB5] =	sst s9;
	s0 =	simm.s32 @!p0 $0x0  }
0x12: {  	s1 =	sld [smem:$0x3F9B];
	s0 =	simm.s32 @p0 $0x1  }
0x13: {  	[smem:$0x3FB6] =	sst s0;
	s0 =	simm.s32 @!p1 $0x0  }
0x14: {  	s2 =	sld [smem:$0x3F9A];
	s0 =	simm.s32 @p1 $0x1  }
0x15: {  	[smem:$0x3FB7] =	sst s0;
	s0 =	simm.s32 @!p2 $0x0  }
0x16: {  	s3 =	sld [smem:$0x3FDB];
	s0 =	simm.s32 @p2 $0x1  }
0x17: {  	s4 =	simm.s32 $0x1BF5;
	[smem:$0x3FB9] =	sst s0  }
0x18: {  	s0 =	sld [smem:$0x3F9C];
	_ =	swait.ge [sflag:s4], $0x0  }
0x19: {  	s7 =	sld [smem:$0x3F9D]  }
0x1a: {  	s8 =	sadd.s32 $0xFFFFE003, lr  }
0x1b: {  	s9 =	sadd.s32 $0xFFFFFEF7, lr;
	s5 =	simm.s32 $0xFFFFFFFF;
	p2 =	slt.u32 s8, $0xFFFFF086  }
0x1c: {  	p1 =	slt.u32 s9, $0xF7A;
	s5 =	simm.s32 @!p2 $0x0  }
0x1d: {  	s5 =	simm.s32 @p1 $0x1;
	p0 =	seq.s32 s7, s2  }
0x1e: {  	s7 =	smul.u32 @!p0 $0xF7A, s2;
	p2 =	seq.s32 @!p0 s5, $0x0  }
0x1f: {  	s9 =	smul.u32 $0xF7A, s1;
	s8 =	simm.s32 @!p0 $0x1BF5;
	p2 =	por !p2, p0  }
0x20: {  	[sflag:s8] =	ssyncset.s32 @!p0 $0xFFFFF086;
	s6 =	sadd.s32 @!p0 s3, s7;
	s7 =	simm.s32 @!p0 $0x108  }
0x21: {  	s3 =	sadd.s32 s3, s9;
	s6 =	sadd.s32 @!p0 $0x88, s6;
	s7 =	simm.s32 @p2 $0x1082  }
0x22: {  	[simem:s7], [sflag:s8] =	dma.local @!p0 [hbm:s6], $0xF7A  }
0x23: {  	s9 =	sor.u32 $0xD0000000, s2;
	s6 =	simm.s32 $0x108;
	_ =	swait.ge @!p0 [sflag:s8], $0x0  }
0x24: {  	s3 =	sadd.s32 $0x88, s3;
	s6 =	simm.s32 @!p1 $0x1082;
	[sflag:s4] =	ssyncset.s32 $0xFFFFF086  }
0x25: {  	[simem:s6], [sflag:s4] =	dma.local [hbm:s3], $0xF7A  }
0x26: {  	[smem:$0x3F9D] =	sst s1;
	(tag) =	ssettag s2;
	_ =	strace s9  }
0x27: {  	s1 =	sld [smem:$0x3FAD]  }
0x28: {  	s2 =	sld [smem:$0x3FAE]  }
0x29: {  	s4 =	sld [smem:$0x3FB0]  }
0x2a: {  	p0 =	seq.s32 s5, $0x0;
	s5 =	sld [smem:$0x3FB1]  }
0x2b: {  	s6 =	sld [smem:$0x3FB2]  }
0x2c: {  	s7 =	sld [smem:$0x3FB3]  }
0x2d: {  	s3 =	simm.s32 $0x108;
	s8 =	sld [smem:$0x3FB4]  }
0x2e: {  	s3 =	simm.s32 @!p0 $0x1082;
	s9 =	sld [smem:$0x3FB5]  }
0x2f: {  	lr =	sadd.s32 s0, s3;
	s0 =	sld [smem:$0x3FAC]  }
0x30: {  	s3 =	sld [smem:$0x3FAF]  }
0x31: {  	[smem:$0x3FB8] =	sst s10  }
0x32: {  	s10 =	sld [smem:$0x3FB6];
	_ =	sdelay $0x3  }
0x33: {  	p0 =	seq.s32 s10, $0x1;
	s10 =	sld [smem:$0x3FB8];
	_ =	sdelay $0x3  }
0x34: {  	[smem:$0x3FB8] =	sst s10  }
0x35: {  	s10 =	sld [smem:$0x3FB7];
	_ =	sdelay $0x3  }
0x36: {  	p1 =	seq.s32 s10, $0x1;
	s10 =	sld [smem:$0x3FB8];
	_ =	sdelay $0x3  }
0x37: {  	[smem:$0x3FB8] =	sst s10  }
0x38: {  	s10 =	sld [smem:$0x3FB9]  }
0x39: {  	_ = 	snop;
	(pc) =	sbr.ind lr, $3  }
0x3a: {  	_ = 	snop  }
0x3b: {  	_ = 	snop  }
0x3c: {  	p2 =	seq.s32 s10, $0x1;
	s10 =	sld [smem:$0x3FB8]  }
0x3d: {  	_ =	shalt  }
0x3e: {  	_ =	shalt  }
0x3f: {  	_ =	shalt  }
0x40: {  	_ =	shalt  }
0x41: {  	_ =	shalt  }
0x42: {  	_ =	shalt  }
0x43: {  	_ =	shalt  }
0x44: {  	_ =	shalt  }
0x45: {  	_ =	shalt  }
0x46: {  	_ =	shalt  }
0x47: {  	_ =	shalt  }
0x48: {  	_ =	shalt  }
0x49: {  	_ =	shalt  }
0x4a: {  	_ =	shalt  }
0x4b: {  	_ =	shalt  }
0x4c: {  	_ =	shalt  }
0x4d: {  	_ =	shalt  }
0x4e: {  	_ =	shalt  }
0x4f: {  	_ =	shalt  }
0x50: {  	_ =	shalt  }
0x51: {  	_ =	shalt  }
0x52: {  	_ =	shalt  }
0x53: {  	_ =	shalt  }
0x54: {  	_ =	shalt  }
0x55: {  	_ =	shalt  }
0x56: {  	_ =	shalt  }
0x57: {  	_ =	shalt  }
0x58: {  	_ =	shalt  }
0x59: {  	_ =	shalt  }
0x5a: {  	_ =	shalt  }
0x5b: {  	_ =	shalt  }
0x5c: {  	_ =	shalt  }
0x5d: {  	_ =	shalt  }
0x5e: {  	_ =	shalt  }
0x5f: {  	_ =	shalt  }
0x60: {  	_ =	shalt  }
0x61: {  	_ =	shalt  }
0x62: {  	_ =	shalt  }
0x63: {  	_ =	shalt  }
0x64: {  	_ =	shalt  }
0x65: {  	_ =	shalt  }
0x66: {  	_ =	shalt  }
0x67: {  	_ =	shalt  }
0x68: {  	_ =	shalt  }
0x69: {  	_ =	shalt  }
0x6a: {  	_ =	shalt  }
0x6b: {  	_ =	shalt  }
0x6c: {  	_ =	shalt  }
0x6d: {  	_ =	shalt  }
0x6e: {  	_ =	shalt  }
0x6f: {  	_ =	shalt  }
0x70: {  	_ =	shalt  }
0x71: {  	_ =	shalt  }
0x72: {  	_ =	shalt  }
0x73: {  	_ =	shalt  }
0x74: {  	_ =	shalt  }
0x75: {  	_ =	shalt  }
0x76: {  	_ =	shalt  }
0x77: {  	_ =	shalt  }
0x78: {  	_ =	shalt  }
0x79: {  	_ =	shalt  }
0x7a: {  	_ =	shalt  }
0x7b: {  	_ =	shalt  }
0x7c: {  	_ =	shalt  }
0x7d: {  	_ =	shalt  }
0x7e: {  	_ =	shalt  }
0x7f: {  	_ =	shalt  }
0x80: {  	_ =	shalt  }
0x81: {  	_ =	shalt  }
0x82: {  	_ =	shalt  }
0x83: {  	_ =	shalt  }
0x84: {  	_ =	shalt  }
0x85: {  	_ =	shalt  }
0x86: {  	_ =	shalt  }
0x87: {  	_ =	shalt  }
.Lfunc_end0:
.L_simem_size_0:
called_computation_lowered:
.L_overlay_start_0:
0x88: {  	s2 =	sld [smem:$0x3FD9]  }
0x89: {  	s3 =	sld [smem:$0x3FFE];
	_ =	sdelay $0x1  }
0x8a: {  	s1 =	srdreg.scid  }
0x8b: {  	s0 =	sand.u32 $0x1, s1  }
0x8c: {  	s17 =	sshll.u32 s0, $0xA;
	s2 =	sadd.s32 s3, s2  }
0x8d: {  	s2 =	sadd.s32 s2, s17  }
0x8e: {  	[smem:$0x3FC4] =	sst s2  }
0x8f: {  	_ = 	snop  }
0x90: {  	s2 =	sld [smem:$0x3FC8]  }
0x91: {  	s18 =	sld [smem:$0x3FD0];
	(tm) =	ssettm $0x1  }
0x92: {  	s4 =	sld [smem:$0x3FFB];
	_ =	sdelay $0x3  }
0x93: {  	_ =	strace s4  }
0x94: {  	s4 =	sld [smem:$0x3FFC];
	_ =	sdelay $0x3  }
0x95: {  	_ =	strace s4  }
0x96: {  	s4 =	sld [smem:$0x3FFD];
	_ =	sdelay $0x3  }
0x97: {  	_ =	strace s4  }
0x98: {  	_ =	strace $0x8FFFFFFF  }
0x99: {  	s19 =	sld [smem:$0x3FDB];
	_ =	sdelay $0x1  }
0x9a: {  	s5 =	simm.s32 $_scs_section_size  }
0x9b: {  	s6 =	simm.s32 $_size__tile_overlayer_lowered;
	s7 =	simm.s32 $_tile_overlayer_lowered  }
0x9c: {  	s22 =	simm.s32 $0x1BFF;
	s21 =	sshll.u32 s7, $0x1;
	s4 =	sadd.s32 s5, s19  }
0x9d: {  	s8 =	simm.s32 $0x0;
	s20 =	sshll.u32 s6, $0x1;
	s6 =	sadd.s32 s21, s4  }
0x9e: {  	[timem:s8], [sflag:s22] =	dma.local [hbm:s6], s20  }
0x9f: {  	_ =	swait.ge [sflag:s22], s20  }
0xa0: {  	s5 =	ssub.s32 $0x0, s20;
	[sflag:s22] =	ssyncset.done $0x0  }
0xa1: {  	[sflag:s22] =	ssyncadd.s32 s5;
	_ =	sdelay $0x1  }
0xa2: {  	s23 =	simm.s32 $0x1B8B  }
0xa3: {  	_ =	swait.ge [sflag:s23], $0x1  }
0xa4: {  	[sflag:s23] =	ssyncset.done $0x0  }
0xa5: {  	s25 =	simm.s32 $0x1B8E;
	s24 =	sld [smem:$0x3FFE];
	[sflag:s23] =	ssyncadd.s32 $0xFFFFFFFF  }
0xa6: {  	s26 =	simm.s32 $execute0_lowered;
	[smem:$0x3FD2] =	sst s25  }
0xa7: {  	s6 =	sshll.u32 s26, $0x1;
	_ =	strace $0x80000046;
	[dreg:$0x1] =	wrdreg $0xFFFFFFFF  }
0xa8: {  	s28 =	simm.s32 $_size_execute0_lowered;
	s4 =	sadd.s32 s4, s6;
	[dreg:$0x0] =	wrdreg $0x0  }
0xa9: {  	s6 =	sshll.u32 s28, $0x1;
	[dreg:$0x2] =	wrdreg s4  }
0xaa: {  	[dreg:$0x3] =	wrdreg s6  }
0xab: {  	[dreg:$0x4] =	wrdreg $0xC0  }
0xac: {  	_ =	task [dreg:s8], $0x5FFFF  }
0xad: {  	[dreg:$0x1] =	wrdreg $0xFFFFFFFF  }
0xae: {  	[dreg:$0x0] =	wrdreg $0x60  }
0xaf: {  	[dreg:$0x2] =	wrdreg s2  }
0xb0: {  	[dreg:$0x3] =	wrdreg s18  }
0xb1: {  	[dreg:$0x4] =	wrdreg s24  }
0xb2: {  	[dreg:$0x5] =	wrdreg $0x9  }
0xb3: {  	_ =	task.clear_ibuf [dreg:s8], $0x6FFFF;
	_ =	strace $0x90000046  }
0xb4: {  	s29 =	simm.s32 $0x9;
	_ =	strace $0x80000048  }
0xb5: {  	_ =	swait.ge [sflag:s29], $0x1  }
0xb6: {  	[sflag:s29] =	ssyncadd.s32 $0xFFFFFFFF  }
0xb7: {  	_ =	strace $0x90000048  }
0xb8: {  	_ =	sfence  }
0xb9: {  	s30 =	sld [smem:$0x0];
	_ =	sdelay $0x2  }
0xba: {  	s31 =	sshll.u32 s1, $0xD;
	s1 =	sshrl.u32 s1, $0x2  }
0xbb: {  	s3 =	sand.u32 $0x4000, s31;
	s1 =	sadd.s32 s1, s30  }
0xbc: {  	s0 =	sor.u32 s3, s0;
	s1 =	sshll.u32 s1, $0x11  }
0xbd: {  	s0 =	sor.u32 s1, s0  }
0xbe: {  	s0 =	sadd.s32 $0x8F2B, s0  }
0xbf: {  	[sflag:s0] =	ssyncadd.remote.s32 $0x1  }
0xc0: {  	_ =	sfence.sel $0xFFFF  }
0xc1: {  	[dreg:$0x0] =	wrdreg $0xFFFFFFFF;
	(pc) =	sbr.abs _section_cstart, $3  }
0xc2: {  	[dreg:$0x1] =	wrdreg $0xFFFFFFFF  }
0xc3: {  	_ =	task.clear_ibuf [dreg:s8], $0x2FFFF;
	_ =	strace $0x9FFFFFFF  }
0xc4: {  	(tm) =	ssettm $0x7FFFFFFF  }
0xc5: {  	_ =	shalt  }
tec
execute0_lowered:
.L_overlay_start_1:
0x0: {  	(tag) =	ssettag $0x1  }
0x1: {  	s1 =	rddreg [dreg:$0x0]  }
0x2: {  	s0 =	rddreg [dreg:$0x1]  }
0x3: {  	s2 =	rddreg [dreg:$0x2];
	s3 =	srdreg.scid  }
0x4: {  	s9 =	stileid.u32;
	s11 =	simm.s32 $0x200;
	s12 =	simm.s32 $0x32  }
0x5: {  	s13 =	simm.s32 $0x400;
	s14 =	simm.s32 $0x80;
	s15 =	simm.s32 $0x2000  }
0x6: {  	s16 =	simm.s32 $0x100;
	s17 =	simm.s32 $0x3C00;
	s18 =	simm.s32 $0x180  }
0x7: {  	s19 =	simm.s32 $0x5800;
	s20 =	simm.s32 $0x7400;
	s28 =	simm.s32 $0x1  }
0x8: {  	s29 =	simm.s32 $0x2;
	s30 =	simm.s32 $0x3;
	s31 =	simm.s32 $0x5  }
0x9: {  	s4 =	sand.u32 $0x1, s3;
	s3 =	simm.s32 $0x0;
	s5 =	sshll.u32 s9, $0x6  }
0xa: {  	s2 =	sadd.s32 $0x600, s2;
	s24 =	sshll.u32 s9, $0xA;
	s9 =	smul.u32 $0xE000, s9  }
0xb: {  	s6 =	sshll.u32 s4, $0x5;
	[smem:$0x7FF] =	sst s3;
	s7 =	ssub.s32 $0x2, s4  }
0xc: {  	s25 =	sshll.u32 s4, $0x9;
	s4 =	smul.u32 $0x7000, s4;
	s5 =	sor.u32 s6, s5  }
0xd: {  	s8 =	sshrl.u32 s7, $0x1;
	s6 =	smul.u32 $0x1C00, s5;
	s5 =	sshll.u32 s5, $0x4  }
0xe: {  	_ =	strace $0x80000047;
	s8 =	ssub.s32 s7, s8;
	s10 =	sadd.s32 s0, s5  }
0xf: {  	s0 =	sadd.s32 s24, s0;
	s26 =	smax.u32 s8, $0x1;
	s24 =	simm.s32 $0xAC00  }
0x10: {  	s21 =	sshrl.u32 s6, $0x3;
	[dreg:$0x5] =	wrdreg s10;
	s22 =	sadd.s32 $0x40, s10  }
0x11: {  	s0 =	sadd.s32 s25, s0;
	[dreg:$0x8] =	wrdreg s26;
	s25 =	simm.s32 $0x380  }
0x12: {  	s26 =	simm.s32 $0xC800;
	[dreg:$0x6] =	wrdreg s22;
	s5 =	sadd.s32 s2, s21  }
0x13: {  	s2 =	sadd.s32 s9, s2;
	[dreg:$0x4] =	wrdreg s0;
	s21 =	simm.s32 $0x280  }
0x14: {  	s22 =	simm.s32 $0x9000;
	s0 =	simm.s32 $0x4;
	s23 =	sadd.s32 $0x5400, s5  }
0x15: {  	s7 =	sadd.s32 $0x6200, s5;
	s9 =	sadd.s32 s4, s2;
	s2 =	simm.s32 $0x6  }
0x16: {  	s5 =	simm.s32 $0x0;
	[dreg:$0x7] =	wrdreg s23;
	s23 =	simm.s32 $0x300  }
.LBB2_1:
0x17: {  	s4 =	rddreg [dreg:$0x5];
	s6 =	simm.s32 $0x7  }
0x18: {  	[tilespmem:s3], [sflag:$0x7] =	stream.linear.gather [hbm4b:s4+s3], $0x200, $0x38;
	[tilespmem:$0xE400] =	vst v63  }
0x19: {  	_ =	swait.ge [sflag:s6], $0x200  }
0x1a: {  	[sflag:s6] =	ssyncset.done $0x0  }
0x1b: {  	s8 =	rddreg [dreg:$0x6];
	[sflag:s6] =	ssyncadd.s32 $0xFFFFFE00  }
0x1c: {  	[tilespmem:s11], [sflag:$0x7] =	stream.linear.gather [hbm4b:s8+s3], $0x200, $0x38;
	[tilespmem:$0xE400] =	vst v63  }
0x1d: {  	_ =	swait.ge [sflag:s6], $0x200  }
0x1e: {  	[sflag:s6] =	ssyncset.done $0x0  }
0x1f: {  	[sflag:s6] =	ssyncadd.s32 $0xFFFFFE00  }
0x20: {  	[tilespmem:s13], [sflag:$0x1] =	stream.indirect.gather [hbm4b:s1+s12], $0x80, s3, s12, $0xb8;
	[tilespmem:$0xE400] =	vst v63  }
0x21: {  	_ = 	snop  }
0x22: {  	[tilespmem:s15], [sflag:$0x1] =	stream.indirect.gather [hbm4b:s1+s12], $0x80, s14, s12, $0xb8;
	[tilespmem:$0xE400] =	vst v63  }
0x23: {  	_ = 	snop  }
0x24: {  	[tilespmem:s17], [sflag:$0x1] =	stream.indirect.gather [hbm4b:s1+s12], $0x80, s16, s12, $0xb8;
	[tilespmem:$0xE400] =	vst v63  }
0x25: {  	_ = 	snop  }
0x26: {  	[tilespmem:s19], [sflag:$0x1] =	stream.indirect.gather [hbm4b:s1+s12], $0x80, s18, s12, $0xb8;
	[tilespmem:$0xE400] =	vst v63  }
0x27: {  	_ = 	snop  }
0x28: {  	[tilespmem:s20], [sflag:$0x2] =	stream.indirect.gather [hbm4b:s1+s12], $0x80, s11, s12, $0xb8;
	[tilespmem:$0xE400] =	vst v63  }
0x29: {  	_ = 	snop  }
0x2a: {  	[tilespmem:s22], [sflag:$0x2] =	stream.indirect.gather [hbm4b:s1+s12], $0x80, s21, s12, $0xb8;
	[tilespmem:$0xE400] =	vst v63  }
0x2b: {  	_ = 	snop  }
0x2c: {  	[tilespmem:s24], [sflag:$0x2] =	stream.indirect.gather [hbm4b:s1+s12], $0x80, s23, s12, $0xb8;
	[tilespmem:$0xE400] =	vst v63  }
0x2d: {  	_ = 	snop  }
0x2e: {  	[tilespmem:s26], [sflag:$0x2] =	stream.indirect.gather [hbm4b:s1+s12], $0x80, s25, s12, $0xb8;
	[tilespmem:$0xE400] =	vst v63  }
0x2f: {  	_ =	swait.ge [sflag:s28], $0x1900  }
0x30: {  	[sflag:s28] =	ssyncset.done $0x0  }
0x31: {  	[sflag:s28] =	ssyncadd.s32 $0xFFFFE700  }
0x32: {  	_ =	swait.ge [sflag:s28], $0x1900  }
0x33: {  	[sflag:s28] =	ssyncset.done $0x0  }
0x34: {  	[sflag:s28] =	ssyncadd.s32 $0xFFFFE700  }
0x35: {  	_ =	swait.ge [sflag:s28], $0x1900  }
0x36: {  	[sflag:s28] =	ssyncset.done $0x0  }
0x37: {  	[sflag:s28] =	ssyncadd.s32 $0xFFFFE700  }
0x38: {  	_ =	swait.ge [sflag:s28], $0x1900  }
0x39: {  	s10 =	rddreg [dreg:$0x4]  }
0x3a: {  	[sflag:s28] =	ssyncset.done $0x0;
	s4 =	sadd.s32 $0x0, s10  }
0x3b: {  	[sflag:s28] =	ssyncadd.s32 $0xFFFFE700;
	s8 =	sadd.s32 $0x80, s4  }
0x3c: {  	[tilespmem:s3], [sflag:$0x5] =	stream.linear.gather [hbm4b:s8+s3], $0x200, $0x38;
	[tilespmem:$0xE400] =	vst v63  }
0x3d: {  	_ = 	snop  }
0x3e: {  	[hbm4b:s9+s3] =	stream.linear.scatter [tilespmem:s13], [sflag:$0x3], $0x1900, $0x38;
	[tilespmem:$0xE400] =	vst v63  }
0x3f: {  	s6 =	sadd.s32 $0x380, s9  }
0x40: {  	[hbm4b:s6+s3] =	stream.linear.scatter [tilespmem:s15], [sflag:$0x3], $0x1900, $0x38;
	[tilespmem:$0xE400] =	vst v63  }
0x41: {  	s10 =	sadd.s32 $0x700, s9  }
0x42: {  	[hbm4b:s10+s3] =	stream.linear.scatter [tilespmem:s17], [sflag:$0x3], $0x1900, $0x38;
	[tilespmem:$0xE400] =	vst v63  }
0x43: {  	s6 =	sadd.s32 $0xA80, s9  }
0x44: {  	[hbm4b:s6+s3] =	stream.linear.scatter [tilespmem:s19], [sflag:$0x3], $0x1900, $0x38;
	[tilespmem:$0xE400] =	vst v63  }
0x45: {  	_ =	swait.ge [sflag:s29], $0x1900  }
0x46: {  	[sflag:s29] =	ssyncset.done $0x0  }
0x47: {  	[sflag:s29] =	ssyncadd.s32 $0xFFFFE700  }
0x48: {  	_ =	swait.ge [sflag:s29], $0x1900  }
0x49: {  	[sflag:s29] =	ssyncset.done $0x0  }
0x4a: {  	[sflag:s29] =	ssyncadd.s32 $0xFFFFE700  }
0x4b: {  	_ =	swait.ge [sflag:s29], $0x1900  }
0x4c: {  	[sflag:s29] =	ssyncset.done $0x0  }
0x4d: {  	[sflag:s29] =	ssyncadd.s32 $0xFFFFE700  }
0x4e: {  	_ =	swait.ge [sflag:s29], $0x1900  }
0x4f: {  	[sflag:s29] =	ssyncset.done $0x0  }
0x50: {  	s4 =	sadd.s32 $0xC0, s4;
	[sflag:s29] =	ssyncadd.s32 $0xFFFFE700  }
0x51: {  	[tilespmem:s11], [sflag:$0x6] =	stream.linear.gather [hbm4b:s4+s3], $0x200, $0x38;
	[tilespmem:$0xE400] =	vst v63  }
0x52: {  	s10 =	sadd.s32 $0xE00, s9  }
0x53: {  	[hbm4b:s10+s3] =	stream.linear.scatter [tilespmem:s20], [sflag:$0x4], $0x1900, $0x38;
	[tilespmem:$0xE400] =	vst v63  }
0x54: {  	s6 =	sadd.s32 $0x1180, s9  }
0x55: {  	[hbm4b:s6+s3] =	stream.linear.scatter [tilespmem:s22], [sflag:$0x4], $0x1900, $0x38;
	[tilespmem:$0xE400] =	vst v63  }
0x56: {  	s8 =	sadd.s32 $0x1500, s9  }
0x57: {  	[hbm4b:s8+s3] =	stream.linear.scatter [tilespmem:s24], [sflag:$0x4], $0x1900, $0x38;
	[tilespmem:$0xE400] =	vst v63  }
0x58: {  	s10 =	sadd.s32 $0x1880, s9  }
0x59: {  	[hbm4b:s10+s3] =	stream.linear.scatter [tilespmem:s26], [sflag:$0x4], $0x1900, $0x38;
	[tilespmem:$0xE400] =	vst v63  }
0x5a: {  	_ =	swait.ge [sflag:s30], $0x6400  }
0x5b: {  	[sflag:s30] =	ssyncset.done $0x0  }
0x5c: {  	[sflag:s30] =	ssyncadd.s32 $0xFFFF9C00  }
0x5d: {  	_ =	swait.ge [sflag:s31], $0x200  }
0x5e: {  	[sflag:s31] =	ssyncset.done $0x0  }
0x5f: {  	[sflag:s31] =	ssyncadd.s32 $0xFFFFFE00  }
0x60: {  	[tilespmem:s13], [sflag:$0x1] =	stream.indirect.gather [hbm4b:s1+s12], $0x80, s3, s12, $0xb8;
	[tilespmem:$0xE400] =	vst v63  }
0x61: {  	_ = 	snop  }
0x62: {  	[tilespmem:s15], [sflag:$0x1] =	stream.indirect.gather [hbm4b:s1+s12], $0x80, s14, s12, $0xb8;
	[tilespmem:$0xE400] =	vst v63  }
0x63: {  	_ = 	snop  }
0x64: {  	[tilespmem:s17], [sflag:$0x1] =	stream.indirect.gather [hbm4b:s1+s12], $0x80, s16, s12, $0xb8;
	[tilespmem:$0xE400] =	vst v63  }
0x65: {  	_ = 	snop  }
0x66: {  	[tilespmem:s19], [sflag:$0x1] =	stream.indirect.gather [hbm4b:s1+s12], $0x80, s18, s12, $0xb8;
	[tilespmem:$0xE400] =	vst v63  }
0x67: {  	_ =	swait.ge [sflag:s0], $0x6400  }
0x68: {  	[sflag:s0] =	ssyncset.done $0x0  }
0x69: {  	[sflag:s0] =	ssyncadd.s32 $0xFFFF9C00  }
0x6a: {  	_ =	swait.ge [sflag:s2], $0x200  }
0x6b: {  	[sflag:s2] =	ssyncset.done $0x0  }
0x6c: {  	[sflag:s2] =	ssyncadd.s32 $0xFFFFFE00  }
0x6d: {  	[tilespmem:s20], [sflag:$0x2] =	stream.indirect.gather [hbm4b:s1+s12], $0x80, s11, s12, $0xb8;
	[tilespmem:$0xE400] =	vst v63  }
0x6e: {  	_ = 	snop  }
0x6f: {  	[tilespmem:s22], [sflag:$0x2] =	stream.indirect.gather [hbm4b:s1+s12], $0x80, s21, s12, $0xb8;
	[tilespmem:$0xE400] =	vst v63  }
0x70: {  	s4 =	simm.s32 $0x80;
	s8 =	sadd.s32 $0x1C00, s9  }
0x71: {  	[tilespmem:s24], [sflag:$0x2] =	stream.indirect.gather [hbm4b:s1+s12], $0x80, s23, s12, $0xb8;
	[tilespmem:$0xE400] =	vst v63  }
.LBB2_2:
0x72: {  	[tilespmem:s26], [sflag:$0x2] =	stream.indirect.gather [hbm4b:s1+s12], $0x80, s25, s12, $0xb8;
	[tilespmem:$0xE400] =	vst v63  }
0x73: {  	_ =	swait.ge [sflag:s28], $0x1900  }
0x74: {  	[sflag:s28] =	ssyncset.done $0x0  }
0x75: {  	[sflag:s28] =	ssyncadd.s32 $0xFFFFE700  }
0x76: {  	_ =	swait.ge [sflag:s28], $0x1900  }
0x77: {  	[sflag:s28] =	ssyncset.done $0x0  }
0x78: {  	[sflag:s28] =	ssyncadd.s32 $0xFFFFE700  }
0x79: {  	_ =	swait.ge [sflag:s28], $0x1900  }
0x7a: {  	[sflag:s28] =	ssyncset.done $0x0  }
0x7b: {  	[sflag:s28] =	ssyncadd.s32 $0xFFFFE700  }
0x7c: {  	_ =	swait.ge [sflag:s28], $0x1900  }
0x7d: {  	s10 =	smov.u32 s4;
	s6 =	rddreg [dreg:$0x4]  }
0x7e: {  	[sflag:s28] =	ssyncset.done $0x0;
	s6 =	sadd.s32 s10, s6  }
0x7f: {  	[sflag:s28] =	ssyncadd.s32 $0xFFFFE700;
	s10 =	sadd.s32 $0x80, s6  }
0x80: {  	[tilespmem:s3], [sflag:$0x5] =	stream.linear.gather [hbm4b:s10+s3], $0x200, $0x38;
	[tilespmem:$0xE400] =	vst v63  }
0x81: {  	_ = 	snop  }
0x82: {  	[hbm4b:s8+s3] =	stream.linear.scatter [tilespmem:s13], [sflag:$0x3], $0x1900, $0x38;
	[tilespmem:$0xE400] =	vst v63  }
0x83: {  	s10 =	sadd.s32 $0x380, s8  }
0x84: {  	[hbm4b:s10+s3] =	stream.linear.scatter [tilespmem:s15], [sflag:$0x3], $0x1900, $0x38;
	[tilespmem:$0xE400] =	vst v63  }
0x85: {  	s10 =	sadd.s32 $0x700, s8  }
0x86: {  	[hbm4b:s10+s3] =	stream.linear.scatter [tilespmem:s17], [sflag:$0x3], $0x1900, $0x38;
	[tilespmem:$0xE400] =	vst v63  }
0x87: {  	s10 =	sadd.s32 $0xA80, s8  }
0x88: {  	[hbm4b:s10+s3] =	stream.linear.scatter [tilespmem:s19], [sflag:$0x3], $0x1900, $0x38;
	[tilespmem:$0xE400] =	vst v63  }
0x89: {  	_ =	swait.ge [sflag:s29], $0x1900  }
0x8a: {  	[sflag:s29] =	ssyncset.done $0x0  }
0x8b: {  	[sflag:s29] =	ssyncadd.s32 $0xFFFFE700  }
0x8c: {  	_ =	swait.ge [sflag:s29], $0x1900  }
0x8d: {  	[sflag:s29] =	ssyncset.done $0x0  }
0x8e: {  	[sflag:s29] =	ssyncadd.s32 $0xFFFFE700  }
0x8f: {  	_ =	swait.ge [sflag:s29], $0x1900  }
0x90: {  	[sflag:s29] =	ssyncset.done $0x0  }
0x91: {  	[sflag:s29] =	ssyncadd.s32 $0xFFFFE700  }
0x92: {  	_ =	swait.ge [sflag:s29], $0x1900  }
0x93: {  	[sflag:s29] =	ssyncset.done $0x0  }
0x94: {  	s6 =	sadd.s32 $0xC0, s6;
	[sflag:s29] =	ssyncadd.s32 $0xFFFFE700  }
0x95: {  	[tilespmem:s11], [sflag:$0x6] =	stream.linear.gather [hbm4b:s6+s3], $0x200, $0x38;
	[tilespmem:$0xE400] =	vst v63  }
0x96: {  	s10 =	sadd.s32 $0xE00, s8  }
0x97: {  	[hbm4b:s10+s3] =	stream.linear.scatter [tilespmem:s20], [sflag:$0x4], $0x1900, $0x38;
	[tilespmem:$0xE400] =	vst v63  }
0x98: {  	s10 =	sadd.s32 $0x1180, s8  }
0x99: {  	[hbm4b:s10+s3] =	stream.linear.scatter [tilespmem:s22], [sflag:$0x4], $0x1900, $0x38;
	[tilespmem:$0xE400] =	vst v63  }
0x9a: {  	s10 =	sadd.s32 $0x1500, s8  }
0x9b: {  	[hbm4b:s10+s3] =	stream.linear.scatter [tilespmem:s24], [sflag:$0x4], $0x1900, $0x38;
	[tilespmem:$0xE400] =	vst v63  }
0x9c: {  	s10 =	sadd.s32 $0x1880, s8  }
0x9d: {  	[hbm4b:s10+s3] =	stream.linear.scatter [tilespmem:s26], [sflag:$0x4], $0x1900, $0x38;
	[tilespmem:$0xE400] =	vst v63  }
0x9e: {  	_ =	swait.ge [sflag:s30], $0x6400  }
0x9f: {  	[sflag:s30] =	ssyncset.done $0x0  }
0xa0: {  	[sflag:s30] =	ssyncadd.s32 $0xFFFF9C00  }
0xa1: {  	_ =	swait.ge [sflag:s31], $0x200  }
0xa2: {  	[sflag:s31] =	ssyncset.done $0x0  }
0xa3: {  	[sflag:s31] =	ssyncadd.s32 $0xFFFFFE00  }
0xa4: {  	[tilespmem:s13], [sflag:$0x1] =	stream.indirect.gather [hbm4b:s1+s12], $0x80, s3, s12, $0xb8;
	[tilespmem:$0xE400] =	vst v63  }
0xa5: {  	_ = 	snop  }
0xa6: {  	[tilespmem:s15], [sflag:$0x1] =	stream.indirect.gather [hbm4b:s1+s12], $0x80, s14, s12, $0xb8;
	[tilespmem:$0xE400] =	vst v63  }
0xa7: {  	_ = 	snop  }
0xa8: {  	[tilespmem:s17], [sflag:$0x1] =	stream.indirect.gather [hbm4b:s1+s12], $0x80, s16, s12, $0xb8;
	[tilespmem:$0xE400] =	vst v63  }
0xa9: {  	_ = 	snop  }
0xaa: {  	[tilespmem:s19], [sflag:$0x1] =	stream.indirect.gather [hbm4b:s1+s12], $0x80, s18, s12, $0xb8;
	[tilespmem:$0xE400] =	vst v63  }
0xab: {  	_ =	swait.ge [sflag:s0], $0x6400  }
0xac: {  	[sflag:s0] =	ssyncset.done $0x0  }
0xad: {  	[sflag:s0] =	ssyncadd.s32 $0xFFFF9C00  }
0xae: {  	_ =	swait.ge [sflag:s2], $0x200  }
0xaf: {  	[sflag:s2] =	ssyncset.done $0x0  }
0xb0: {  	p0 =	sne.s32 s4, $0x100;
	[sflag:s2] =	ssyncadd.s32 $0xFFFFFE00  }
0xb1: {  	[tilespmem:s20], [sflag:$0x2] =	stream.indirect.gather [hbm4b:s1+s12], $0x80, s11, s12, $0xb8;
	[tilespmem:$0xE400] =	vst v63  }
.Ltmp0:
0xb2: {  	_ = 	snop;
	(pc) =	sbr.rel @p0 .LBB2_2-.Ltmp0, $4  }
0xb3: {  	_ = 	snop  }
0xb4: {  	[tilespmem:s22], [sflag:$0x2] =	stream.indirect.gather [hbm4b:s1+s12], $0x80, s21, s12, $0xb8;
	[tilespmem:$0xE400] =	vst v63  }
0xb5: {  	s4 =	sadd.s32 $0x80, s4;
	s8 =	sadd.s32 $0x1C00, s8  }
0xb6: {  	[tilespmem:s24], [sflag:$0x2] =	stream.indirect.gather [hbm4b:s1+s12], $0x80, s23, s12, $0xb8;
	[tilespmem:$0xE400] =	vst v63  }
0xb7: {  	[tilespmem:s26], [sflag:$0x2] =	stream.indirect.gather [hbm4b:s1+s12], $0x80, s25, s12, $0xb8;
	[tilespmem:$0xE400] =	vst v63  }
0xb8: {  	_ =	swait.ge [sflag:s28], $0x1900  }
0xb9: {  	[sflag:s28] =	ssyncset.done $0x0  }
0xba: {  	[sflag:s28] =	ssyncadd.s32 $0xFFFFE700  }
0xbb: {  	_ =	swait.ge [sflag:s28], $0x1900  }
0xbc: {  	[sflag:s28] =	ssyncset.done $0x0  }
0xbd: {  	[sflag:s28] =	ssyncadd.s32 $0xFFFFE700  }
0xbe: {  	_ =	swait.ge [sflag:s28], $0x1900  }
0xbf: {  	[sflag:s28] =	ssyncset.done $0x0  }
0xc0: {  	[sflag:s28] =	ssyncadd.s32 $0xFFFFE700  }
0xc1: {  	_ =	swait.ge [sflag:s28], $0x1900  }
0xc2: {  	[sflag:s28] =	ssyncset.done $0x0  }
0xc3: {  	s6 =	rddreg [dreg:$0x7];
	[sflag:s28] =	ssyncadd.s32 $0xFFFFE700  }
0xc4: {  	[hbm4b:s6+s3] =	stream.linear.scatter [tilespmem:s13], [sflag:$0x3], $0x1900, $0x38;
	[tilespmem:$0xE400] =	vst v63  }
0xc5: {  	s4 =	sadd.s32 $0x380, s6  }
0xc6: {  	[hbm4b:s4+s3] =	stream.linear.scatter [tilespmem:s15], [sflag:$0x3], $0x1900, $0x38;
	[tilespmem:$0xE400] =	vst v63  }
0xc7: {  	s10 =	sadd.s32 $0x700, s6  }
0xc8: {  	[hbm4b:s10+s3] =	stream.linear.scatter [tilespmem:s17], [sflag:$0x3], $0x1900, $0x38;
	[tilespmem:$0xE400] =	vst v63  }
0xc9: {  	s8 =	sadd.s32 $0xA80, s6  }
0xca: {  	[hbm4b:s8+s3] =	stream.linear.scatter [tilespmem:s19], [sflag:$0x3], $0x1900, $0x38;
	[tilespmem:$0xE400] =	vst v63  }
0xcb: {  	_ =	swait.ge [sflag:s29], $0x1900  }
0xcc: {  	[sflag:s29] =	ssyncset.done $0x0  }
0xcd: {  	[sflag:s29] =	ssyncadd.s32 $0xFFFFE700  }
0xce: {  	_ =	swait.ge [sflag:s29], $0x1900  }
0xcf: {  	[sflag:s29] =	ssyncset.done $0x0  }
0xd0: {  	[sflag:s29] =	ssyncadd.s32 $0xFFFFE700  }
0xd1: {  	_ =	swait.ge [sflag:s29], $0x1900  }
0xd2: {  	[sflag:s29] =	ssyncset.done $0x0  }
0xd3: {  	[sflag:s29] =	ssyncadd.s32 $0xFFFFE700  }
0xd4: {  	_ =	swait.ge [sflag:s29], $0x1900  }
0xd5: {  	[sflag:s29] =	ssyncset.done $0x0  }
0xd6: {  	[sflag:s29] =	ssyncadd.s32 $0xFFFFE700  }
0xd7: {  	[hbm4b:s7+s3] =	stream.linear.scatter [tilespmem:s20], [sflag:$0x4], $0x1900, $0x38;
	[tilespmem:$0xE400] =	vst v63  }
0xd8: {  	s10 =	sadd.s32 $0x380, s7  }
0xd9: {  	[hbm4b:s10+s3] =	stream.linear.scatter [tilespmem:s22], [sflag:$0x4], $0x1900, $0x38;
	[tilespmem:$0xE400] =	vst v63  }
0xda: {  	s6 =	sadd.s32 $0x700, s7  }
0xdb: {  	[hbm4b:s6+s3] =	stream.linear.scatter [tilespmem:s24], [sflag:$0x4], $0x1900, $0x38;
	[tilespmem:$0xE400] =	vst v63  }
0xdc: {  	s8 =	sadd.s32 $0xA80, s7  }
0xdd: {  	[hbm4b:s8+s3] =	stream.linear.scatter [tilespmem:s26], [sflag:$0x4], $0x1900, $0x38;
	[tilespmem:$0xE400] =	vst v63  }
0xde: {  	_ =	swait.ge [sflag:s30], $0x6400  }
0xdf: {  	[sflag:s30] =	ssyncset.done $0x0  }
0xe0: {  	[sflag:s30] =	ssyncadd.s32 $0xFFFF9C00  }
0xe1: {  	_ =	swait.ge [sflag:s0], $0x6400  }
0xe2: {  	s5 =	sadd.s32 $0x1, s5;
	s10 =	rddreg [dreg:$0x8]  }
0xe3: {  	p0 =	sne.s32 s5, s10  }
.Ltmp1:
0xe4: {  	_ = 	snop;
	(pc) =	sbr.rel @p0 .LBB2_1-.Ltmp1, $3  }
0xe5: {  	_ =	sdelay $0x1  }
0xe6: {  	[sflag:s0] =	ssyncset.done $0x0  }
0xe7: {  	[sflag:s0] =	ssyncadd.s32 $0xFFFF9C00  }
0xe8: {  	_ =	sfence.sel $0x180000  }
0xe9: {  	[bflag:$0x0] =	sbarrier.arrive $0xFFFF  }
0xea: {  	_ =	strace $0x90000047  }
0xeb: {  	s0 =	stileid.u32;
	[bflag:$0x2] =	sbarrier.arrive $0xFFFF  }
0xec: {  	p0 =	sne.s32 s0, $0x0;
	s0 =	rddreg [dreg:$0x3]  }
0xed: {  	s0 =	sadd.s32 @!p0 $0x100000, s0  }
0xee: {  	[sflag:s0] =	ssyncadd.tile.s32 @!p0 $0x1;
	_ =	shalt  }
.Lfunc_end2:
_tile_overlayer_lowered:
.L_overlay_start_2:
0xef: {  	(tag) =	ssettag $0x2  }
0xf0: {  	s0 =	rddreg [dreg:$0x0];
	s2 =	stileid.u32  }
0xf1: {  	s1 =	rddreg [dreg:$0x1];
	p0 =	sne.s32 s2, $0x0  }
0xf2: {  	s3 =	rddreg [dreg:$0x2];
	[bflag:$0x3] =	sbarrier.arrive $0xFFFF;
	s2 =	simm.s32 @!p0 $0x1C07  }
0xf3: {  	[timem:s3], [sflag:s2] =	dma.local @!p0 [hbm:s0], s1  }
0xf4: {  	s0 =	simm.s32 @!p0 $0x7  }
0xf5: {  	_ =	swait.ge @!p0 [sflag:s0], s1  }
0xf6: {  	s1 =	ssub.s32 @!p0 $0x0, s1;
	[sflag:s0] =	ssyncset.done @!p0 $0x0  }
0xf7: {  	[sflag:s0] =	ssyncadd.s32 @!p0 s1  }
0xf8: {  	[bflag:$0x3] =	sbarrier.arrive $0xFFFF  }
0xf9: {  	_ =	shalt  }

</sc_bundles>
